<compile_context>
chip_gen: v7x
topology: tpu7x:2x2x1
jax: 0.10.2.dev20260603
libtpu: 0.0.44.dev20260713+nightly
codegen_flags: <defaults>
</compile_context>

<pallas_src>
import functools

import jax
import jax.numpy as jnp
from jax import lax
from jax.experimental import pallas as pl
from jax.experimental.pallas import tpu as pltpu
from jax.experimental.pallas import tpu_sc as plsc

BATCH = 4096
HIST = 200
EMBED = 64
HIDDEN = 128
OUT = 16
VOCAB = 1000000

NUM_CORES = 2
NUM_SUBCORES = 16
NW = NUM_CORES * NUM_SUBCORES
BPW = BATCH // NW
CHUNKS = (40, 40, 40, 40, 40)
NVEC = EMBED // 16
ROW = 128

_mesh = plsc.VectorSubcoreMesh(core_axis_name="c", subcore_axis_name="s")


@functools.partial(
    pl.kernel,
    mesh=_mesh,
    compiler_params=pltpu.CompilerParams(use_tc_tiling_on_sc=False),
    out_type=jax.ShapeDtypeStruct((BATCH, EMBED), jnp.float32),
    scratch_types=[
        pltpu.VMEM((BPW * HIST,), jnp.int32),
        pltpu.VMEM((HIST, EMBED), jnp.float32),
        pltpu.VMEM((HIST, EMBED), jnp.float32),
        pltpu.VMEM((BPW, EMBED), jnp.float32),
        pltpu.SemaphoreType.DMA,
        pltpu.SemaphoreType.DMA,
    ],
)
def _pool(x_hbm, table_hbm, out_hbm, xv, buf0, buf1, outbuf, sem0, sem1):
    wid = lax.axis_index("s") * NUM_CORES + lax.axis_index("c")
    base = wid * BPW

    pltpu.sync_copy(x_hbm.at[pl.ds(base * HIST, BPW * HIST)], xv)

    def chunk_copy(b, off, n, buf, sem):
        return pltpu.make_async_copy(
            table_hbm.at[xv.at[pl.ds(b * HIST + off, n)]],
            buf.at[pl.ds(off, n)],
            sem,
        )

    def start_row(b, buf, sem):
        off = 0
        for n in CHUNKS:
            chunk_copy(b, off, n, buf, sem).start()
            off += n

    def wait_row(b, buf, sem):
        off = 0
        for n in CHUNKS:
            chunk_copy(b, off, n, buf, sem).wait()
            off += n

    def acc_row(b, buf):
        def body(i, accs):
            l = i * 4
            new = []
            for j in range(NVEC):
                r0 = buf[l + 0, pl.ds(j * 16, 16)]
                r1 = buf[l + 1, pl.ds(j * 16, 16)]
                r2 = buf[l + 2, pl.ds(j * 16, 16)]
                r3 = buf[l + 3, pl.ds(j * 16, 16)]
                new.append(accs[j] + ((r0 + r1) + (r2 + r3)))
            return tuple(new)

        zero = jnp.zeros((16,), jnp.float32)
        accs = lax.fori_loop(0, HIST // 4, body, (zero,) * NVEC)
        scale = jnp.float32(1.0 / HIST)
        for j in range(NVEC):
            outbuf[b, pl.ds(j * 16, 16)] = accs[j] * scale

    start_row(0, buf0, sem0)
    start_row(1, buf1, sem1)

    def loop_body(i, carry):
        g = i * 2

        wait_row(g, buf0, sem0)
        acc_row(g, buf0)

        @pl.when(g + 2 < BPW)
        def _():
            start_row(g + 2, buf0, sem0)

        wait_row(g + 1, buf1, sem1)
        acc_row(g + 1, buf1)

        @pl.when(g + 3 < BPW)
        def _():
            start_row(g + 3, buf1, sem1)

        return carry

    lax.fori_loop(0, BPW // 2, loop_body, 0)

    pltpu.sync_copy(outbuf, out_hbm.at[pl.ds(base, BPW)])


TBLK = 4096
NGRID = 122
SPLIT = TBLK * NGRID
OUTROWS = TBLK * (NGRID + 1)


def _repack_body(lo_ref, hi_ref, o_ref):
    o_ref[...] = jnp.concatenate([lo_ref[...].T, hi_ref[...].T], axis=1)


def _repack(tT):
    return pl.pallas_call(
        _repack_body,
        grid=(NGRID + 1,),
        in_specs=[
            pl.BlockSpec(
                (EMBED, TBLK), lambda i: (0, jnp.where(i < NGRID, i, 2 * NGRID))
            ),
            pl.BlockSpec(
                (EMBED, TBLK),
                lambda i: (0, jnp.where(i < NGRID, i + NGRID, 2 * NGRID - 1)),
            ),
        ],
        out_specs=pl.BlockSpec((TBLK, ROW), lambda i: (i, 0)),
        out_shape=jax.ShapeDtypeStruct((OUTROWS, ROW), jnp.float32),
    )(tT, tT)


def _mlp_body(p_ref, w1_ref, b1_ref, w2_ref, b2_ref, o_ref):
    h = jnp.dot(p_ref[...], w1_ref[...], preferred_element_type=jnp.float32)
    h = h + b1_ref[...]
    o_ref[...] = (
        jnp.dot(h, w2_ref[...], preferred_element_type=jnp.float32) + b2_ref[...]
    )


def kernel(x, table, W1, b1, W2, b2):
    x = x.astype(jnp.int32).reshape(BATCH * HIST)
    shifted = (x >= SPLIT).astype(jnp.int32)
    inhi = ((x >= SPLIT) & (x < 2 * SPLIT)).astype(jnp.int32)
    xk = 2 * (x - shifted * SPLIT) + inhi
    t2 = _repack(table.T).reshape(2 * OUTROWS, EMBED)
    pooled = _pool(xk, t2)
    return pl.pallas_call(
        _mlp_body,
        out_shape=jax.ShapeDtypeStruct((BATCH, OUT), jnp.float32),
    )(pooled, W1, b1.reshape(1, HIDDEN), W2, b2.reshape(1, OUT))

# --- scband reference (transcript-rebuilt; emitter-appended) ---
"""Pipeline reference for scband-simple-text-classifier-57140244906429 (READ-ONLY COPY).

The authoritative reference and input builder live on the scoring server;
editing this copy changes nothing except your own understanding.
"""

import jax, jax.numpy as jnp
import numpy as np

VOCAB = 1000000
EMBED_DIM = 64
HIDDEN_DIM = 128
OUTPUT_DIM = 16
BATCH = 4096
HIST = 200


def setup_inputs(seed: int = 0) -> dict:
    key = jax.random.key(seed)
    k_idx, k_tab, k_w1, k_b1, k_w2, k_b2 = jax.random.split(key, 6)
    x = jax.random.randint(k_idx, (BATCH, HIST), 0, VOCAB, dtype=jnp.int64 if jax.config.jax_enable_x64 else jnp.int32)
    table = jax.random.normal(k_tab, (VOCAB, EMBED_DIM), dtype=jnp.float32) * 0.02
    W1 = jax.random.normal(k_w1, (EMBED_DIM, HIDDEN_DIM), dtype=jnp.float32) * (1.0 / np.sqrt(EMBED_DIM))
    b1 = jax.random.normal(k_b1, (HIDDEN_DIM,), dtype=jnp.float32) * 0.01
    W2 = jax.random.normal(k_w2, (HIDDEN_DIM, OUTPUT_DIM), dtype=jnp.float32) * (1.0 / np.sqrt(HIDDEN_DIM))
    b2 = jax.random.normal(k_b2, (OUTPUT_DIM,), dtype=jnp.float32) * 0.01
    return {"x": x, "table": table, "W1": W1, "b1": b1, "W2": W2, "b2": b2}


def reference(x, table, W1, b1, W2, b2):
    # embedding lookup: [B, L, D]
    embedded = jnp.take(table, x, axis=0)
    # mean over sequence dim -> [B, D]
    hidden = jnp.mean(embedded, axis=1)
    # fc: Linear(embed_dim, hidden_dim)
    hidden = hidden @ W1 + b1
    # output: Linear(hidden_dim, output_dim)
    out = hidden @ W2 + b2
    return out

if __name__ == "__main__":
    import jax
    _d = setup_inputs()
    print(jax.jit(kernel)(*tuple(_d.values())))

</pallas_src>

<mosaic_0001>
#map = affine_map<(d0, d1) -> (0)>
#map1 = affine_map<(d0, d1) -> (0, 0)>
module attributes {stable_mosaic.version = 14 : i64} {
  func.func @_pool(%arg0: i32, %arg1: i32, %arg2: memref<819200xi32, #tpu.memory_space<hbm>>, %arg3: memref<1007616x64xf32, #tpu.memory_space<hbm>>, %arg4: memref<4096x64xf32, #tpu.memory_space<hbm>>, %arg5: memref<25600xi32, #tpu.memory_space<vmem>>, %arg6: memref<200x64xf32, #tpu.memory_space<vmem>>, %arg7: memref<200x64xf32, #tpu.memory_space<vmem>>, %arg8: memref<128x64xf32, #tpu.memory_space<vmem>>, %arg9: memref<!tpu.dma_semaphore, #tpu.memory_space<semaphore_mem>>, %arg10: memref<!tpu.dma_semaphore, #tpu.memory_space<semaphore_mem>>) attributes {dimension_semantics = [#tpu.dimension_semantics<core_parallel>, #tpu.dimension_semantics<subcore_parallel>], iteration_bounds = array<i64: 2, 16>, scalar_prefetch = 0 : i64, scratch_operands = 6 : i64, tpu.core_type = #tpu.core_type<sc_vector_subcore>, window_params = [{transform_indices = #map}, {transform_indices = #map1}, {transform_indices = #map1}]} {
    %mul3A = arith.constant 2 : i32
    %mul3A_0 = arith.muli %arg1, %mul3A : i32
    %add3A = arith.addi %mul3A_0, %arg0 : i32
    %mul3A_1 = arith.constant 128 : i32
    %mul3A_2 = arith.muli %add3A, %mul3A_1 : i32
    %mul3A_3 = arith.constant 200 : i32
    %mul3A_4 = arith.muli %mul3A_2, %mul3A_3 : i32
    "tpu.region"() ({
      %run_scoped3A = tpu.sem_alloc : memref<!tpu.dma_semaphore, #tpu.memory_space<semaphore_mem>>
      %dma_start3A_89 = tpu.memref_slice %arg2[%mul3A_4] : memref<819200xi32, #tpu.memory_space<hbm>> -> memref<25600xi32, #tpu.memory_space<hbm>>
      %dma_start3A_90 = tpu.memref_slice %arg2[%mul3A_4] : memref<819200xi32, #tpu.memory_space<hbm>> -> memref<25600xi32, #tpu.memory_space<hbm>>
      tpu.enqueue_dma source(%dma_start3A_90 : memref<25600xi32, #tpu.memory_space<hbm>>) target(%arg5 : memref<25600xi32, #tpu.memory_space<vmem>>) target_semaphore(%run_scoped3A : memref<!tpu.dma_semaphore, #tpu.memory_space<semaphore_mem>>)
      %dma_wait3A = tpu.memref_slice %arg2[%mul3A_4] : memref<819200xi32, #tpu.memory_space<hbm>> -> memref<25600xi32, #tpu.memory_space<hbm>>
      %dma_wait3A_91 = tpu.memref_slice %arg2[%mul3A_4] : memref<819200xi32, #tpu.memory_space<hbm>> -> memref<25600xi32, #tpu.memory_space<hbm>>
      tpu.wait_dma2 semaphore(%run_scoped3A : memref<!tpu.dma_semaphore, #tpu.memory_space<semaphore_mem>>) src(%dma_wait3A_91 : memref<25600xi32, #tpu.memory_space<hbm>>) dst(%arg5 : memref<25600xi32, #tpu.memory_space<vmem>>)
      tpu.yield
    }) : () -> ()
    %dma_start3A = arith.constant 0 : i32
    %dma_start3A_5 = arith.constant 0 : i32
    %dma_start3A_6 = tpu.memref_slice %arg6[%dma_start3A, %dma_start3A_5] : memref<200x64xf32, #tpu.memory_space<vmem>> -> memref<40x64xf32, #tpu.memory_space<vmem>>
    %dma_start3A_7 = arith.constant 0 : i32
    %dma_start3A_8 = tpu.memref_slice %arg5[%dma_start3A_7] : memref<25600xi32, #tpu.memory_space<vmem>> -> memref<40xi32, #tpu.memory_space<vmem>>
    %dma_start3A_9 = arith.constant 0 : i32
    %dma_start3A_10 = arith.constant 0 : i32
    %dma_start3A_11 = tpu.memref_slice %arg3[%dma_start3A_9, %dma_start3A_10] : memref<1007616x64xf32, #tpu.memory_space<hbm>> -> memref<1007616x64xf32, #tpu.memory_space<hbm>>
    tpu.enqueue_indirect_dma source(%dma_start3A_11 : memref<1007616x64xf32, #tpu.memory_space<hbm>>) target(%dma_start3A_6 : memref<40x64xf32, #tpu.memory_space<vmem>>) offsets(%dma_start3A_8 : memref<40xi32, #tpu.memory_space<vmem>>) semaphore(%arg9 : memref<!tpu.dma_semaphore, #tpu.memory_space<semaphore_mem>>)
    %dma_start3A_12 = arith.constant 40 : i32
    %dma_start3A_13 = arith.constant 0 : i32
    %dma_start3A_14 = tpu.memref_slice %arg6[%dma_start3A_12, %dma_start3A_13] : memref<200x64xf32, #tpu.memory_space<vmem>> -> memref<40x64xf32, #tpu.memory_space<vmem>>
    %dma_start3A_15 = arith.constant 40 : i32
    %dma_start3A_16 = tpu.memref_slice %arg5[%dma_start3A_15] : memref<25600xi32, #tpu.memory_space<vmem>> -> memref<40xi32, #tpu.memory_space<vmem>>
    %dma_start3A_17 = arith.constant 0 : i32
    %dma_start3A_18 = arith.constant 0 : i32
    %dma_start3A_19 = tpu.memref_slice %arg3[%dma_start3A_17, %dma_start3A_18] : memref<1007616x64xf32, #tpu.memory_space<hbm>> -> memref<1007616x64xf32, #tpu.memory_space<hbm>>
    tpu.enqueue_indirect_dma source(%dma_start3A_19 : memref<1007616x64xf32, #tpu.memory_space<hbm>>) target(%dma_start3A_14 : memref<40x64xf32, #tpu.memory_space<vmem>>) offsets(%dma_start3A_16 : memref<40xi32, #tpu.memory_space<vmem>>) semaphore(%arg9 : memref<!tpu.dma_semaphore, #tpu.memory_space<semaphore_mem>>)
    %dma_start3A_20 = arith.constant 80 : i32
    %dma_start3A_21 = arith.constant 0 : i32
    %dma_start3A_22 = tpu.memref_slice %arg6[%dma_start3A_20, %dma_start3A_21] : memref<200x64xf32, #tpu.memory_space<vmem>> -> memref<40x64xf32, #tpu.memory_space<vmem>>
    %dma_start3A_23 = arith.constant 80 : i32
    %dma_start3A_24 = tpu.memref_slice %arg5[%dma_start3A_23] : memref<25600xi32, #tpu.memory_space<vmem>> -> memref<40xi32, #tpu.memory_space<vmem>>
    %dma_start3A_25 = arith.constant 0 : i32
    %dma_start3A_26 = arith.constant 0 : i32
    %dma_start3A_27 = tpu.memref_slice %arg3[%dma_start3A_25, %dma_start3A_26] : memref<1007616x64xf32, #tpu.memory_space<hbm>> -> memref<1007616x64xf32, #tpu.memory_space<hbm>>
    tpu.enqueue_indirect_dma source(%dma_start3A_27 : memref<1007616x64xf32, #tpu.memory_space<hbm>>) target(%dma_start3A_22 : memref<40x64xf32, #tpu.memory_space<vmem>>) offsets(%dma_start3A_24 : memref<40xi32, #tpu.memory_space<vmem>>) semaphore(%arg9 : memref<!tpu.dma_semaphore, #tpu.memory_space<semaphore_mem>>)
    %dma_start3A_28 = arith.constant 120 : i32
    %dma_start3A_29 = arith.constant 0 : i32
    %dma_start3A_30 = tpu.memref_slice %arg6[%dma_start3A_28, %dma_start3A_29] : memref<200x64xf32, #tpu.memory_space<vmem>> -> memref<40x64xf32, #tpu.memory_space<vmem>>
    %dma_start3A_31 = arith.constant 120 : i32
    %dma_start3A_32 = tpu.memref_slice %arg5[%dma_start3A_31] : memref<25600xi32, #tpu.memory_space<vmem>> -> memref<40xi32, #tpu.memory_space<vmem>>
    %dma_start3A_33 = arith.constant 0 : i32
    %dma_start3A_34 = arith.constant 0 : i32
    %dma_start3A_35 = tpu.memref_slice %arg3[%dma_start3A_33, %dma_start3A_34] : memref<1007616x64xf32, #tpu.memory_space<hbm>> -> memref<1007616x64xf32, #tpu.memory_space<hbm>>
    tpu.enqueue_indirect_dma source(%dma_start3A_35 : memref<1007616x64xf32, #tpu.memory_space<hbm>>) target(%dma_start3A_30 : memref<40x64xf32, #tpu.memory_space<vmem>>) offsets(%dma_start3A_32 : memref<40xi32, #tpu.memory_space<vmem>>) semaphore(%arg9 : memref<!tpu.dma_semaphore, #tpu.memory_space<semaphore_mem>>)
    %dma_start3A_36 = arith.constant 160 : i32
    %dma_start3A_37 = arith.constant 0 : i32
    %dma_start3A_38 = tpu.memref_slice %arg6[%dma_start3A_36, %dma_start3A_37] : memref<200x64xf32, #tpu.memory_space<vmem>> -> memref<40x64xf32, #tpu.memory_space<vmem>>
    %dma_start3A_39 = arith.constant 160 : i32
    %dma_start3A_40 = tpu.memref_slice %arg5[%dma_start3A_39] : memref<25600xi32, #tpu.memory_space<vmem>> -> memref<40xi32, #tpu.memory_space<vmem>>
    %dma_start3A_41 = arith.constant 0 : i32
    %dma_start3A_42 = arith.constant 0 : i32
    %dma_start3A_43 = tpu.memref_slice %arg3[%dma_start3A_41, %dma_start3A_42] : memref<1007616x64xf32, #tpu.memory_space<hbm>> -> memref<1007616x64xf32, #tpu.memory_space<hbm>>
    tpu.enqueue_indirect_dma source(%dma_start3A_43 : memref<1007616x64xf32, #tpu.memory_space<hbm>>) target(%dma_start3A_38 : memref<40x64xf32, #tpu.memory_space<vmem>>) offsets(%dma_start3A_40 : memref<40xi32, #tpu.memory_space<vmem>>) semaphore(%arg9 : memref<!tpu.dma_semaphore, #tpu.memory_space<semaphore_mem>>)
    %dma_start3A_44 = arith.constant 0 : i32
    %dma_start3A_45 = arith.constant 0 : i32
    %dma_start3A_46 = tpu.memref_slice %arg7[%dma_start3A_44, %dma_start3A_45] : memref<200x64xf32, #tpu.memory_space<vmem>> -> memref<40x64xf32, #tpu.memory_space<vmem>>
    %dma_start3A_47 = arith.constant 200 : i32
    %dma_start3A_48 = tpu.memref_slice %arg5[%dma_start3A_47] : memref<25600xi32, #tpu.memory_space<vmem>> -> memref<40xi32, #tpu.memory_space<vmem>>
    %dma_start3A_49 = arith.constant 0 : i32
    %dma_start3A_50 = arith.constant 0 : i32
    %dma_start3A_51 = tpu.memref_slice %arg3[%dma_start3A_49, %dma_start3A_50] : memref<1007616x64xf32, #tpu.memory_space<hbm>> -> memref<1007616x64xf32, #tpu.memory_space<hbm>>
    tpu.enqueue_indirect_dma source(%dma_start3A_51 : memref<1007616x64xf32, #tpu.memory_space<hbm>>) target(%dma_start3A_46 : memref<40x64xf32, #tpu.memory_space<vmem>>) offsets(%dma_start3A_48 : memref<40xi32, #tpu.memory_space<vmem>>) semaphore(%arg10 : memref<!tpu.dma_semaphore, #tpu.memory_space<semaphore_mem>>)
    %dma_start3A_52 = arith.constant 40 : i32
    %dma_start3A_53 = arith.constant 0 : i32
    %dma_start3A_54 = tpu.memref_slice %arg7[%dma_start3A_52, %dma_start3A_53] : memref<200x64xf32, #tpu.memory_space<vmem>> -> memref<40x64xf32, #tpu.memory_space<vmem>>
    %dma_start3A_55 = arith.constant 240 : i32
    %dma_start3A_56 = tpu.memref_slice %arg5[%dma_start3A_55] : memref<25600xi32, #tpu.memory_space<vmem>> -> memref<40xi32, #tpu.memory_space<vmem>>
    %dma_start3A_57 = arith.constant 0 : i32
    %dma_start3A_58 = arith.constant 0 : i32
    %dma_start3A_59 = tpu.memref_slice %arg3[%dma_start3A_57, %dma_start3A_58] : memref<1007616x64xf32, #tpu.memory_space<hbm>> -> memref<1007616x64xf32, #tpu.memory_space<hbm>>
    tpu.enqueue_indirect_dma source(%dma_start3A_59 : memref<1007616x64xf32, #tpu.memory_space<hbm>>) target(%dma_start3A_54 : memref<40x64xf32, #tpu.memory_space<vmem>>) offsets(%dma_start3A_56 : memref<40xi32, #tpu.memory_space<vmem>>) semaphore(%arg10 : memref<!tpu.dma_semaphore, #tpu.memory_space<semaphore_mem>>)
    %dma_start3A_60 = arith.constant 80 : i32
    %dma_start3A_61 = arith.constant 0 : i32
    %dma_start3A_62 = tpu.memref_slice %arg7[%dma_start3A_60, %dma_start3A_61] : memref<200x64xf32, #tpu.memory_space<vmem>> -> memref<40x64xf32, #tpu.memory_space<vmem>>
    %dma_start3A_63 = arith.constant 280 : i32
    %dma_start3A_64 = tpu.memref_slice %arg5[%dma_start3A_63] : memref<25600xi32, #tpu.memory_space<vmem>> -> memref<40xi32, #tpu.memory_space<vmem>>
    %dma_start3A_65 = arith.constant 0 : i32
    %dma_start3A_66 = arith.constant 0 : i32
    %dma_start3A_67 = tpu.memref_slice %arg3[%dma_start3A_65, %dma_start3A_66] : memref<1007616x64xf32, #tpu.memory_space<hbm>> -> memref<1007616x64xf32, #tpu.memory_space<hbm>>
    tpu.enqueue_indirect_dma source(%dma_start3A_67 : memref<1007616x64xf32, #tpu.memory_space<hbm>>) target(%dma_start3A_62 : memref<40x64xf32, #tpu.memory_space<vmem>>) offsets(%dma_start3A_64 : memref<40xi32, #tpu.memory_space<vmem>>) semaphore(%arg10 : memref<!tpu.dma_semaphore, #tpu.memory_space<semaphore_mem>>)
    %dma_start3A_68 = arith.constant 120 : i32
    %dma_start3A_69 = arith.constant 0 : i32
    %dma_start3A_70 = tpu.memref_slice %arg7[%dma_start3A_68, %dma_start3A_69] : memref<200x64xf32, #tpu.memory_space<vmem>> -> memref<40x64xf32, #tpu.memory_space<vmem>>
    %dma_start3A_71 = arith.constant 320 : i32
    %dma_start3A_72 = tpu.memref_slice %arg5[%dma_start3A_71] : memref<25600xi32, #tpu.memory_space<vmem>> -> memref<40xi32, #tpu.memory_space<vmem>>
    %dma_start3A_73 = arith.constant 0 : i32
    %dma_start3A_74 = arith.constant 0 : i32
    %dma_start3A_75 = tpu.memref_slice %arg3[%dma_start3A_73, %dma_start3A_74] : memref<1007616x64xf32, #tpu.memory_space<hbm>> -> memref<1007616x64xf32, #tpu.memory_space<hbm>>
    tpu.enqueue_indirect_dma source(%dma_start3A_75 : memref<1007616x64xf32, #tpu.memory_space<hbm>>) target(%dma_start3A_70 : memref<40x64xf32, #tpu.memory_space<vmem>>) offsets(%dma_start3A_72 : memref<40xi32, #tpu.memory_space<vmem>>) semaphore(%arg10 : memref<!tpu.dma_semaphore, #tpu.memory_space<semaphore_mem>>)
    %dma_start3A_76 = arith.constant 160 : i32
    %dma_start3A_77 = arith.constant 0 : i32
    %dma_start3A_78 = tpu.memref_slice %arg7[%dma_start3A_76, %dma_start3A_77] : memref<200x64xf32, #tpu.memory_space<vmem>> -> memref<40x64xf32, #tpu.memory_space<vmem>>
    %dma_start3A_79 = arith.constant 360 : i32
    %dma_start3A_80 = tpu.memref_slice %arg5[%dma_start3A_79] : memref<25600xi32, #tpu.memory_space<vmem>> -> memref<40xi32, #tpu.memory_space<vmem>>
    %dma_start3A_81 = arith.constant 0 : i32
    %dma_start3A_82 = arith.constant 0 : i32
    %dma_start3A_83 = tpu.memref_slice %arg3[%dma_start3A_81, %dma_start3A_82] : memref<1007616x64xf32, #tpu.memory_space<hbm>> -> memref<1007616x64xf32, #tpu.memory_space<hbm>>
    tpu.enqueue_indirect_dma source(%dma_start3A_83 : memref<1007616x64xf32, #tpu.memory_space<hbm>>) target(%dma_start3A_78 : memref<40x64xf32, #tpu.memory_space<vmem>>) offsets(%dma_start3A_80 : memref<40xi32, #tpu.memory_space<vmem>>) semaphore(%arg10 : memref<!tpu.dma_semaphore, #tpu.memory_space<semaphore_mem>>)
    %scan3A = arith.constant 0 : i32
    %scan3A_84 = arith.constant 0 : i32
    %scan3A_85 = arith.constant 64 : i32
    %scan3A_86 = arith.addi %scan3A_84, %scan3A_85 : i32
    %scan3A_87 = arith.constant 1 : i32
    scf.for %scan3A_89 = %scan3A_84 to %scan3A_86 step %scan3A_87  : i32 {
      %mul3A_90 = arith.constant 2 : i32
      %mul3A_91 = arith.muli %scan3A_89, %mul3A_90 : i32
      %mul3A_92 = arith.constant 200 : i32
      %mul3A_93 = arith.muli %mul3A_91, %mul3A_92 : i32
      %add3A_94 = arith.constant 0 : i32
      %add3A_95 = arith.addi %mul3A_93, %add3A_94 : i32
      %dma_wait3A = arith.constant 0 : i32
      %dma_wait3A_96 = arith.constant 0 : i32
      %dma_wait3A_97 = tpu.memref_slice %arg6[%dma_wait3A, %dma_wait3A_96] : memref<200x64xf32, #tpu.memory_space<vmem>> -> memref<40x64xf32, #tpu.memory_space<vmem>>
      %dma_wait3A_98 = tpu.memref_slice %arg5[%add3A_95] : memref<25600xi32, #tpu.memory_space<vmem>> -> memref<40xi32, #tpu.memory_space<vmem>>
      %dma_wait3A_99 = arith.constant 0 : i32
      %dma_wait3A_100 = arith.constant 0 : i32
      %dma_wait3A_101 = tpu.memref_slice %arg3[%dma_wait3A_99, %dma_wait3A_100] : memref<1007616x64xf32, #tpu.memory_space<hbm>> -> memref<1007616x64xf32, #tpu.memory_space<hbm>>
      tpu.wait_indirect_dma semaphore(%arg9 : memref<!tpu.dma_semaphore, #tpu.memory_space<semaphore_mem>>) src(%dma_wait3A_101 : memref<1007616x64xf32, #tpu.memory_space<hbm>>) dst(%dma_wait3A_97 : memref<40x64xf32, #tpu.memory_space<vmem>>)
      %mul3A_102 = arith.constant 200 : i32
      %mul3A_103 = arith.muli %mul3A_91, %mul3A_102 : i32
      %add3A_104 = arith.constant 40 : i32
      %add3A_105 = arith.addi %mul3A_103, %add3A_104 : i32
      %dma_wait3A_106 = arith.constant 40 : i32
      %dma_wait3A_107 = arith.constant 0 : i32
      %dma_wait3A_108 = tpu.memref_slice %arg6[%dma_wait3A_106, %dma_wait3A_107] : memref<200x64xf32, #tpu.memory_space<vmem>> -> memref<40x64xf32, #tpu.memory_space<vmem>>
      %dma_wait3A_109 = tpu.memref_slice %arg5[%add3A_105] : memref<25600xi32, #tpu.memory_space<vmem>> -> memref<40xi32, #tpu.memory_space<vmem>>
      %dma_wait3A_110 = arith.constant 0 : i32
      %dma_wait3A_111 = arith.constant 0 : i32
      %dma_wait3A_112 = tpu.memref_slice %arg3[%dma_wait3A_110, %dma_wait3A_111] : memref<1007616x64xf32, #tpu.memory_space<hbm>> -> memref<1007616x64xf32, #tpu.memory_space<hbm>>
      tpu.wait_indirect_dma semaphore(%arg9 : memref<!tpu.dma_semaphore, #tpu.memory_space<semaphore_mem>>) src(%dma_wait3A_112 : memref<1007616x64xf32, #tpu.memory_space<hbm>>) dst(%dma_wait3A_108 : memref<40x64xf32, #tpu.memory_space<vmem>>)
      %mul3A_113 = arith.constant 200 : i32
      %mul3A_114 = arith.muli %mul3A_91, %mul3A_113 : i32
      %add3A_115 = arith.constant 80 : i32
      %add3A_116 = arith.addi %mul3A_114, %add3A_115 : i32
      %dma_wait3A_117 = arith.constant 80 : i32
      %dma_wait3A_118 = arith.constant 0 : i32
      %dma_wait3A_119 = tpu.memref_slice %arg6[%dma_wait3A_117, %dma_wait3A_118] : memref<200x64xf32, #tpu.memory_space<vmem>> -> memref<40x64xf32, #tpu.memory_space<vmem>>
      %dma_wait3A_120 = tpu.memref_slice %arg5[%add3A_116] : memref<25600xi32, #tpu.memory_space<vmem>> -> memref<40xi32, #tpu.memory_space<vmem>>
      %dma_wait3A_121 = arith.constant 0 : i32
      %dma_wait3A_122 = arith.constant 0 : i32
      %dma_wait3A_123 = tpu.memref_slice %arg3[%dma_wait3A_121, %dma_wait3A_122] : memref<1007616x64xf32, #tpu.memory_space<hbm>> -> memref<1007616x64xf32, #tpu.memory_space<hbm>>
      tpu.wait_indirect_dma semaphore(%arg9 : memref<!tpu.dma_semaphore, #tpu.memory_space<semaphore_mem>>) src(%dma_wait3A_123 : memref<1007616x64xf32, #tpu.memory_space<hbm>>) dst(%dma_wait3A_119 : memref<40x64xf32, #tpu.memory_space<vmem>>)
      %mul3A_124 = arith.constant 200 : i32
      %mul3A_125 = arith.muli %mul3A_91, %mul3A_124 : i32
      %add3A_126 = arith.constant 120 : i32
      %add3A_127 = arith.addi %mul3A_125, %add3A_126 : i32
      %dma_wait3A_128 = arith.constant 120 : i32
      %dma_wait3A_129 = arith.constant 0 : i32
      %dma_wait3A_130 = tpu.memref_slice %arg6[%dma_wait3A_128, %dma_wait3A_129] : memref<200x64xf32, #tpu.memory_space<vmem>> -> memref<40x64xf32, #tpu.memory_space<vmem>>
      %dma_wait3A_131 = tpu.memref_slice %arg5[%add3A_127] : memref<25600xi32, #tpu.memory_space<vmem>> -> memref<40xi32, #tpu.memory_space<vmem>>
      %dma_wait3A_132 = arith.constant 0 : i32
      %dma_wait3A_133 = arith.constant 0 : i32
      %dma_wait3A_134 = tpu.memref_slice %arg3[%dma_wait3A_132, %dma_wait3A_133] : memref<1007616x64xf32, #tpu.memory_space<hbm>> -> memref<1007616x64xf32, #tpu.memory_space<hbm>>
      tpu.wait_indirect_dma semaphore(%arg9 : memref<!tpu.dma_semaphore, #tpu.memory_space<semaphore_mem>>) src(%dma_wait3A_134 : memref<1007616x64xf32, #tpu.memory_space<hbm>>) dst(%dma_wait3A_130 : memref<40x64xf32, #tpu.memory_space<vmem>>)
      %mul3A_135 = arith.constant 200 : i32
      %mul3A_136 = arith.muli %mul3A_91, %mul3A_135 : i32
      %add3A_137 = arith.constant 160 : i32
      %add3A_138 = arith.addi %mul3A_136, %add3A_137 : i32
      %dma_wait3A_139 = arith.constant 160 : i32
      %dma_wait3A_140 = arith.constant 0 : i32
      %dma_wait3A_141 = tpu.memref_slice %arg6[%dma_wait3A_139, %dma_wait3A_140] : memref<200x64xf32, #tpu.memory_space<vmem>> -> memref<40x64xf32, #tpu.memory_space<vmem>>
      %dma_wait3A_142 = tpu.memref_slice %arg5[%add3A_138] : memref<25600xi32, #tpu.memory_space<vmem>> -> memref<40xi32, #tpu.memory_space<vmem>>
      %dma_wait3A_143 = arith.constant 0 : i32
      %dma_wait3A_144 = arith.constant 0 : i32
      %dma_wait3A_145 = tpu.memref_slice %arg3[%dma_wait3A_143, %dma_wait3A_144] : memref<1007616x64xf32, #tpu.memory_space<hbm>> -> memref<1007616x64xf32, #tpu.memory_space<hbm>>
      tpu.wait_indirect_dma semaphore(%arg9 : memref<!tpu.dma_semaphore, #tpu.memory_space<semaphore_mem>>) src(%dma_wait3A_145 : memref<1007616x64xf32, #tpu.memory_space<hbm>>) dst(%dma_wait3A_141 : memref<40x64xf32, #tpu.memory_space<vmem>>)
      %broadcast_in_dim3A = arith.constant 0.000000e+00 : f32
      %broadcast_in_dim3A_146 = vector.broadcast %broadcast_in_dim3A : f32 to vector<16xf32>
      %scan3A_147 = arith.constant 0 : i32
      %scan3A_148 = arith.constant 50 : i32
      %scan3A_149 = arith.addi %scan3A_147, %scan3A_148 : i32
      %scan3A_150 = arith.constant 1 : i32
      %scan3A_151:4 = scf.for %scan3A_294 = %scan3A_147 to %scan3A_149 step %scan3A_150 iter_args(%scan3A_295 = %broadcast_in_dim3A_146, %scan3A_296 = %broadcast_in_dim3A_146, %scan3A_297 = %broadcast_in_dim3A_146, %scan3A_298 = %broadcast_in_dim3A_146) -> (vector<16xf32>, vector<16xf32>, vector<16xf32>, vector<16xf32>)  : i32 {
        %mul3A_299 = arith.constant 4 : i32
        %mul3A_300 = arith.muli %scan3A_294, %mul3A_299 : i32
        %add3A_301 = arith.constant 0 : i32
        %add3A_302 = arith.addi %mul3A_300, %add3A_301 : i32
        %get3A = arith.index_cast %add3A_302 : i32 to index
        %get3A_303 = arith.constant 0 : index
        %get3A_304 = tpu.vector_load %arg6[%get3A, %get3A_303] {strides = array<i32>} : memref<200x64xf32, #tpu.memory_space<vmem>>, vector<1x16xf32>,
        %get3A_305 = vector.shape_cast %get3A_304 : vector<1x16xf32> to vector<16xf32>
        %add3A_306 = arith.constant 1 : i32
        %add3A_307 = arith.addi %mul3A_300, %add3A_306 : i32
        %get3A_308 = arith.index_cast %add3A_307 : i32 to index
        %get3A_309 = arith.constant 0 : index
        %get3A_310 = tpu.vector_load %arg6[%get3A_308, %get3A_309] {strides = array<i32>} : memref<200x64xf32, #tpu.memory_space<vmem>>, vector<1x16xf32>,
        %get3A_311 = vector.shape_cast %get3A_310 : vector<1x16xf32> to vector<16xf32>
        %add3A_312 = arith.constant 2 : i32
        %add3A_313 = arith.addi %mul3A_300, %add3A_312 : i32
        %get3A_314 = arith.index_cast %add3A_313 : i32 to index
        %get3A_315 = arith.constant 0 : index
        %get3A_316 = tpu.vector_load %arg6[%get3A_314, %get3A_315] {strides = array<i32>} : memref<200x64xf32, #tpu.memory_space<vmem>>, vector<1x16xf32>,
        %get3A_317 = vector.shape_cast %get3A_316 : vector<1x16xf32> to vector<16xf32>
        %add3A_318 = arith.constant 3 : i32
        %add3A_319 = arith.addi %mul3A_300, %add3A_318 : i32
        %get3A_320 = arith.index_cast %add3A_319 : i32 to index
        %get3A_321 = arith.constant 0 : index
        %get3A_322 = tpu.vector_load %arg6[%get3A_320, %get3A_321] {strides = array<i32>} : memref<200x64xf32, #tpu.memory_space<vmem>>, vector<1x16xf32>,
        %get3A_323 = vector.shape_cast %get3A_322 : vector<1x16xf32> to vector<16xf32>
        %add3A_324 = arith.addf %get3A_305, %get3A_311 : vector<16xf32>
        %add3A_325 = arith.addf %get3A_317, %get3A_323 : vector<16xf32>
        %add3A_326 = arith.addf %add3A_324, %add3A_325 : vector<16xf32>
        %add3A_327 = arith.addf %scan3A_295, %add3A_326 : vector<16xf32>
        %add3A_328 = arith.constant 0 : i32
        %add3A_329 = arith.addi %mul3A_300, %add3A_328 : i32
        %get3A_330 = arith.index_cast %add3A_329 : i32 to index
        %get3A_331 = arith.constant 16 : index
        %get3A_332 = tpu.vector_load %arg6[%get3A_330, %get3A_331] {strides = array<i32>} : memref<200x64xf32, #tpu.memory_space<vmem>>, vector<1x16xf32>,
        %get3A_333 = vector.shape_cast %get3A_332 : vector<1x16xf32> to vector<16xf32>
        %add3A_334 = arith.constant 1 : i32
        %add3A_335 = arith.addi %mul3A_300, %add3A_334 : i32
        %get3A_336 = arith.index_cast %add3A_335 : i32 to index
        %get3A_337 = arith.constant 16 : index
        %get3A_338 = tpu.vector_load %arg6[%get3A_336, %get3A_337] {strides = array<i32>} : memref<200x64xf32, #tpu.memory_space<vmem>>, vector<1x16xf32>,
        %get3A_339 = vector.shape_cast %get3A_338 : vector<1x16xf32> to vector<16xf32>
        %add3A_340 = arith.constant 2 : i32
        %add3A_341 = arith.addi %mul3A_300, %add3A_340 : i32
        %get3A_342 = arith.index_cast %add3A_341 : i32 to index
        %get3A_343 = arith.constant 16 : index
        %get3A_344 = tpu.vector_load %arg6[%get3A_342, %get3A_343] {strides = array<i32>} : memref<200x64xf32, #tpu.memory_space<vmem>>, vector<1x16xf32>,
        %get3A_345 = vector.shape_cast %get3A_344 : vector<1x16xf32> to vector<16xf32>
        %add3A_346 = arith.constant 3 : i32
        %add3A_347 = arith.addi %mul3A_300, %add3A_346 : i32
        %get3A_348 = arith.index_cast %add3A_347 : i32 to index
        %get3A_349 = arith.constant 16 : index
        %get3A_350 = tpu.vector_load %arg6[%get3A_348, %get3A_349] {strides = array<i32>} : memref<200x64xf32, #tpu.memory_space<vmem>>, vector<1x16xf32>,
        %get3A_351 = vector.shape_cast %get3A_350 : vector<1x16xf32> to vector<16xf32>
        %add3A_352 = arith.addf %get3A_333, %get3A_339 : vector<16xf32>
        %add3A_353 = arith.addf %get3A_345, %get3A_351 : vector<16xf32>
        %add3A_354 = arith.addf %add3A_352, %add3A_353 : vector<16xf32>
        %add3A_355 = arith.addf %scan3A_296, %add3A_354 : vector<16xf32>
        %add3A_356 = arith.constant 0 : i32
        %add3A_357 = arith.addi %mul3A_300, %add3A_356 : i32
        %get3A_358 = arith.index_cast %add3A_357 : i32 to index
        %get3A_359 = arith.constant 32 : index
        %get3A_360 = tpu.vector_load %arg6[%get3A_358, %get3A_359] {strides = array<i32>} : memref<200x64xf32, #tpu.memory_space<vmem>>, vector<1x16xf32>,
        %get3A_361 = vector.shape_cast %get3A_360 : vector<1x16xf32> to vector<16xf32>
        %add3A_362 = arith.constant 1 : i32
        %add3A_363 = arith.addi %mul3A_300, %add3A_362 : i32
        %get3A_364 = arith.index_cast %add3A_363 : i32 to index
        %get3A_365 = arith.constant 32 : index
        %get3A_366 = tpu.vector_load %arg6[%get3A_364, %get3A_365] {strides = array<i32>} : memref<200x64xf32, #tpu.memory_space<vmem>>, vector<1x16xf32>,
        %get3A_367 = vector.shape_cast %get3A_366 : vector<1x16xf32> to vector<16xf32>
        %add3A_368 = arith.constant 2 : i32
        %add3A_369 = arith.addi %mul3A_300, %add3A_368 : i32
        %get3A_370 = arith.index_cast %add3A_369 : i32 to index
        %get3A_371 = arith.constant 32 : index
        %get3A_372 = tpu.vector_load %arg6[%get3A_370, %get3A_371] {strides = array<i32>} : memref<200x64xf32, #tpu.memory_space<vmem>>, vector<1x16xf32>,
        %get3A_373 = vector.shape_cast %get3A_372 : vector<1x16xf32> to vector<16xf32>
        %add3A_374 = arith.constant 3 : i32
        %add3A_375 = arith.addi %mul3A_300, %add3A_374 : i32
        %get3A_376 = arith.index_cast %add3A_375 : i32 to index
        %get3A_377 = arith.constant 32 : index
        %get3A_378 = tpu.vector_load %arg6[%get3A_376, %get3A_377] {strides = array<i32>} : memref<200x64xf32, #tpu.memory_space<vmem>>, vector<1x16xf32>,
        %get3A_379 = vector.shape_cast %get3A_378 : vector<1x16xf32> to vector<16xf32>
        %add3A_380 = arith.addf %get3A_361, %get3A_367 : vector<16xf32>
        %add3A_381 = arith.addf %get3A_373, %get3A_379 : vector<16xf32>
        %add3A_382 = arith.addf %add3A_380, %add3A_381 : vector<16xf32>
        %add3A_383 = arith.addf %scan3A_297, %add3A_382 : vector<16xf32>
        %add3A_384 = arith.constant 0 : i32
        %add3A_385 = arith.addi %mul3A_300, %add3A_384 : i32
        %get3A_386 = arith.index_cast %add3A_385 : i32 to index
        %get3A_387 = arith.constant 48 : index
        %get3A_388 = tpu.vector_load %arg6[%get3A_386, %get3A_387] {strides = array<i32>} : memref<200x64xf32, #tpu.memory_space<vmem>>, vector<1x16xf32>,
        %get3A_389 = vector.shape_cast %get3A_388 : vector<1x16xf32> to vector<16xf32>
        %add3A_390 = arith.constant 1 : i32
        %add3A_391 = arith.addi %mul3A_300, %add3A_390 : i32
        %get3A_392 = arith.index_cast %add3A_391 : i32 to index
        %get3A_393 = arith.constant 48 : index
        %get3A_394 = tpu.vector_load %arg6[%get3A_392, %get3A_393] {strides = array<i32>} : memref<200x64xf32, #tpu.memory_space<vmem>>, vector<1x16xf32>,
        %get3A_395 = vector.shape_cast %get3A_394 : vector<1x16xf32> to vector<16xf32>
        %add3A_396 = arith.constant 2 : i32
        %add3A_397 = arith.addi %mul3A_300, %add3A_396 : i32
        %get3A_398 = arith.index_cast %add3A_397 : i32 to index
        %get3A_399 = arith.constant 48 : index
        %get3A_400 = tpu.vector_load %arg6[%get3A_398, %get3A_399] {strides = array<i32>} : memref<200x64xf32, #tpu.memory_space<vmem>>, vector<1x16xf32>,
        %get3A_401 = vector.shape_cast %get3A_400 : vector<1x16xf32> to vector<16xf32>
        %add3A_402 = arith.constant 3 : i32
        %add3A_403 = arith.addi %mul3A_300, %add3A_402 : i32
        %get3A_404 = arith.index_cast %add3A_403 : i32 to index
        %get3A_405 = arith.constant 48 : index
        %get3A_406 = tpu.vector_load %arg6[%get3A_404, %get3A_405] {strides = array<i32>} : memref<200x64xf32, #tpu.memory_space<vmem>>, vector<1x16xf32>,
        %get3A_407 = vector.shape_cast %get3A_406 : vector<1x16xf32> to vector<16xf32>
        %add3A_408 = arith.addf %get3A_389, %get3A_395 : vector<16xf32>
        %add3A_409 = arith.addf %get3A_401, %get3A_407 : vector<16xf32>
        %add3A_410 = arith.addf %add3A_408, %add3A_409 : vector<16xf32>
        %add3A_411 = arith.addf %scan3A_298, %add3A_410 : vector<16xf32>
        scf.yield %add3A_327, %add3A_355, %add3A_383, %add3A_411 : vector<16xf32>, vector<16xf32>, vector<16xf32>, vector<16xf32>
      }
      %scan3A_152 = arith.constant 50 : i32
      %mul3A_153 = arith.constant 5.000000e-03 : f32
      %mul3A_154 = vector.broadcast %mul3A_153 : f32 to vector<16xf32>
      %mul3A_155 = arith.mulf %scan3A_151#0, %mul3A_154 : vector<16xf32>
      %swap3A = arith.index_cast %mul3A_91 : i32 to index
      %swap3A_156 = arith.constant 0 : index
      %swap3A_157 = tpu.vector_load %arg8[%swap3A, %swap3A_156] {strides = array<i32>} : memref<128x64xf32, #tpu.memory_space<vmem>>, vector<1x16xf32>,
      %swap3A_158 = vector.shape_cast %swap3A_157 : vector<1x16xf32> to vector<16xf32>
      %swap3A_159 = vector.shape_cast %mul3A_155 : vector<16xf32> to vector<1x16xf32>
      tpu.vector_store %arg8[%swap3A, %swap3A_156], %swap3A_159 {strides = array<i32>} : memref<128x64xf32, #tpu.memory_space<vmem>>, vector<1x16xf32>,
      %mul3A_160 = arith.constant 5.000000e-03 : f32
      %mul3A_161 = vector.broadcast %mul3A_160 : f32 to vector<16xf32>
      %mul3A_162 = arith.mulf %scan3A_151#1, %mul3A_161 : vector<16xf32>
      %swap3A_163 = arith.index_cast %mul3A_91 : i32 to index
      %swap3A_164 = arith.constant 16 : index
      %swap3A_165 = tpu.vector_load %arg8[%swap3A_163, %swap3A_164] {strides = array<i32>} : memref<128x64xf32, #tpu.memory_space<vmem>>, vector<1x16xf32>,
      %swap3A_166 = vector.shape_cast %swap3A_165 : vector<1x16xf32> to vector<16xf32>
      %swap3A_167 = vector.shape_cast %mul3A_162 : vector<16xf32> to vector<1x16xf32>
      tpu.vector_store %arg8[%swap3A_163, %swap3A_164], %swap3A_167 {strides = array<i32>} : memref<128x64xf32, #tpu.memory_space<vmem>>, vector<1x16xf32>,
      %mul3A_168 = arith.constant 5.000000e-03 : f32
      %mul3A_169 = vector.broadcast %mul3A_168 : f32 to vector<16xf32>
      %mul3A_170 = arith.mulf %scan3A_151#2, %mul3A_169 : vector<16xf32>
      %swap3A_171 = arith.index_cast %mul3A_91 : i32 to index
      %swap3A_172 = arith.constant 32 : index
      %swap3A_173 = tpu.vector_load %arg8[%swap3A_171, %swap3A_172] {strides = array<i32>} : memref<128x64xf32, #tpu.memory_space<vmem>>, vector<1x16xf32>,
      %swap3A_174 = vector.shape_cast %swap3A_173 : vector<1x16xf32> to vector<16xf32>
      %swap3A_175 = vector.shape_cast %mul3A_170 : vector<16xf32> to vector<1x16xf32>
      tpu.vector_store %arg8[%swap3A_171, %swap3A_172], %swap3A_175 {strides = array<i32>} : memref<128x64xf32, #tpu.memory_space<vmem>>, vector<1x16xf32>,
      %mul3A_176 = arith.constant 5.000000e-03 : f32
      %mul3A_177 = vector.broadcast %mul3A_176 : f32 to vector<16xf32>
      %mul3A_178 = arith.mulf %scan3A_151#3, %mul3A_177 : vector<16xf32>
      %swap3A_179 = arith.index_cast %mul3A_91 : i32 to index
      %swap3A_180 = arith.constant 48 : index
      %swap3A_181 = tpu.vector_load %arg8[%swap3A_179, %swap3A_180] {strides = array<i32>} : memref<128x64xf32, #tpu.memory_space<vmem>>, vector<1x16xf32>,
      %swap3A_182 = vector.shape_cast %swap3A_181 : vector<1x16xf32> to vector<16xf32>
      %swap3A_183 = vector.shape_cast %mul3A_178 : vector<16xf32> to vector<1x16xf32>
      tpu.vector_store %arg8[%swap3A_179, %swap3A_180], %swap3A_183 {strides = array<i32>} : memref<128x64xf32, #tpu.memory_space<vmem>>, vector<1x16xf32>,
      %add3A_184 = arith.constant 2 : i32
      %add3A_185 = arith.addi %mul3A_91, %add3A_184 : i32
      %lt3A = arith.constant 128 : i32
      %lt3A_186 = arith.cmpi slt, %add3A_185, %lt3A : i32
      %convert_element_type3A = arith.extui %lt3A_186 : i1 to i32
      %cond3A = arith.constant 0 : i32
      %cond3A_187 = arith.cmpi ne, %convert_element_type3A, %cond3A : i32
      scf.if %cond3A_187 {
        %add3A_294 = arith.constant 2 : i32
        %add3A_295 = arith.addi %mul3A_91, %add3A_294 : i32
        %mul3A_296 = arith.constant 200 : i32
        %mul3A_297 = arith.muli %add3A_295, %mul3A_296 : i32
        %add3A_298 = arith.constant 0 : i32
        %add3A_299 = arith.addi %mul3A_297, %add3A_298 : i32
        %dma_start3A_300 = arith.constant 0 : i32
        %dma_start3A_301 = arith.constant 0 : i32
        %dma_start3A_302 = tpu.memref_slice %arg6[%dma_start3A_300, %dma_start3A_301] : memref<200x64xf32, #tpu.memory_space<vmem>> -> memref<40x64xf32, #tpu.memory_space<vmem>>
        %dma_start3A_303 = tpu.memref_slice %arg5[%add3A_299] : memref<25600xi32, #tpu.memory_space<vmem>> -> memref<40xi32, #tpu.memory_space<vmem>>
        %dma_start3A_304 = arith.constant 0 : i32
        %dma_start3A_305 = arith.constant 0 : i32
        %dma_start3A_306 = tpu.memref_slice %arg3[%dma_start3A_304, %dma_start3A_305] : memref<1007616x64xf32, #tpu.memory_space<hbm>> -> memref<1007616x64xf32, #tpu.memory_space<hbm>>
        tpu.enqueue_indirect_dma source(%dma_start3A_306 : memref<1007616x64xf32, #tpu.memory_space<hbm>>) target(%dma_start3A_302 : memref<40x64xf32, #tpu.memory_space<vmem>>) offsets(%dma_start3A_303 : memref<40xi32, #tpu.memory_space<vmem>>) semaphore(%arg9 : memref<!tpu.dma_semaphore, #tpu.memory_space<semaphore_mem>>)
        %mul3A_307 = arith.constant 200 : i32
        %mul3A_308 = arith.muli %add3A_295, %mul3A_307 : i32
        %add3A_309 = arith.constant 40 : i32
        %add3A_310 = arith.addi %mul3A_308, %add3A_309 : i32
        %dma_start3A_311 = arith.constant 40 : i32
        %dma_start3A_312 = arith.constant 0 : i32
        %dma_start3A_313 = tpu.memref_slice %arg6[%dma_start3A_311, %dma_start3A_312] : memref<200x64xf32, #tpu.memory_space<vmem>> -> memref<40x64xf32, #tpu.memory_space<vmem>>
        %dma_start3A_314 = tpu.memref_slice %arg5[%add3A_310] : memref<25600xi32, #tpu.memory_space<vmem>> -> memref<40xi32, #tpu.memory_space<vmem>>
        %dma_start3A_315 = arith.constant 0 : i32
        %dma_start3A_316 = arith.constant 0 : i32
        %dma_start3A_317 = tpu.memref_slice %arg3[%dma_start3A_315, %dma_start3A_316] : memref<1007616x64xf32, #tpu.memory_space<hbm>> -> memref<1007616x64xf32, #tpu.memory_space<hbm>>
        tpu.enqueue_indirect_dma source(%dma_start3A_317 : memref<1007616x64xf32, #tpu.memory_space<hbm>>) target(%dma_start3A_313 : memref<40x64xf32, #tpu.memory_space<vmem>>) offsets(%dma_start3A_314 : memref<40xi32, #tpu.memory_space<vmem>>) semaphore(%arg9 : memref<!tpu.dma_semaphore, #tpu.memory_space<semaphore_mem>>)
        %mul3A_318 = arith.constant 200 : i32
        %mul3A_319 = arith.muli %add3A_295, %mul3A_318 : i32
        %add3A_320 = arith.constant 80 : i32
        %add3A_321 = arith.addi %mul3A_319, %add3A_320 : i32
        %dma_start3A_322 = arith.constant 80 : i32
        %dma_start3A_323 = arith.constant 0 : i32
        %dma_start3A_324 = tpu.memref_slice %arg6[%dma_start3A_322, %dma_start3A_323] : memref<200x64xf32, #tpu.memory_space<vmem>> -> memref<40x64xf32, #tpu.memory_space<vmem>>
        %dma_start3A_325 = tpu.memref_slice %arg5[%add3A_321] : memref<25600xi32, #tpu.memory_space<vmem>> -> memref<40xi32, #tpu.memory_space<vmem>>
        %dma_start3A_326 = arith.constant 0 : i32
        %dma_start3A_327 = arith.constant 0 : i32
        %dma_start3A_328 = tpu.memref_slice %arg3[%dma_start3A_326, %dma_start3A_327] : memref<1007616x64xf32, #tpu.memory_space<hbm>> -> memref<1007616x64xf32, #tpu.memory_space<hbm>>
        tpu.enqueue_indirect_dma source(%dma_start3A_328 : memref<1007616x64xf32, #tpu.memory_space<hbm>>) target(%dma_start3A_324 : memref<40x64xf32, #tpu.memory_space<vmem>>) offsets(%dma_start3A_325 : memref<40xi32, #tpu.memory_space<vmem>>) semaphore(%arg9 : memref<!tpu.dma_semaphore, #tpu.memory_space<semaphore_mem>>)
        %mul3A_329 = arith.constant 200 : i32
        %mul3A_330 = arith.muli %add3A_295, %mul3A_329 : i32
        %add3A_331 = arith.constant 120 : i32
        %add3A_332 = arith.addi %mul3A_330, %add3A_331 : i32
        %dma_start3A_333 = arith.constant 120 : i32
        %dma_start3A_334 = arith.constant 0 : i32
        %dma_start3A_335 = tpu.memref_slice %arg6[%dma_start3A_333, %dma_start3A_334] : memref<200x64xf32, #tpu.memory_space<vmem>> -> memref<40x64xf32, #tpu.memory_space<vmem>>
        %dma_start3A_336 = tpu.memref_slice %arg5[%add3A_332] : memref<25600xi32, #tpu.memory_space<vmem>> -> memref<40xi32, #tpu.memory_space<vmem>>
        %dma_start3A_337 = arith.constant 0 : i32
        %dma_start3A_338 = arith.constant 0 : i32
        %dma_start3A_339 = tpu.memref_slice %arg3[%dma_start3A_337, %dma_start3A_338] : memref<1007616x64xf32, #tpu.memory_space<hbm>> -> memref<1007616x64xf32, #tpu.memory_space<hbm>>
        tpu.enqueue_indirect_dma source(%dma_start3A_339 : memref<1007616x64xf32, #tpu.memory_space<hbm>>) target(%dma_start3A_335 : memref<40x64xf32, #tpu.memory_space<vmem>>) offsets(%dma_start3A_336 : memref<40xi32, #tpu.memory_space<vmem>>) semaphore(%arg9 : memref<!tpu.dma_semaphore, #tpu.memory_space<semaphore_mem>>)
        %mul3A_340 = arith.constant 200 : i32
        %mul3A_341 = arith.muli %add3A_295, %mul3A_340 : i32
        %add3A_342 = arith.constant 160 : i32
        %add3A_343 = arith.addi %mul3A_341, %add3A_342 : i32
        %dma_start3A_344 = arith.constant 160 : i32
        %dma_start3A_345 = arith.constant 0 : i32
        %dma_start3A_346 = tpu.memref_slice %arg6[%dma_start3A_344, %dma_start3A_345] : memref<200x64xf32, #tpu.memory_space<vmem>> -> memref<40x64xf32, #tpu.memory_space<vmem>>
        %dma_start3A_347 = tpu.memref_slice %arg5[%add3A_343] : memref<25600xi32, #tpu.memory_space<vmem>> -> memref<40xi32, #tpu.memory_space<vmem>>
        %dma_start3A_348 = arith.constant 0 : i32
        %dma_start3A_349 = arith.constant 0 : i32
        %dma_start3A_350 = tpu.memref_slice %arg3[%dma_start3A_348, %dma_start3A_349] : memref<1007616x64xf32, #tpu.memory_space<hbm>> -> memref<1007616x64xf32, #tpu.memory_space<hbm>>
        tpu.enqueue_indirect_dma source(%dma_start3A_350 : memref<1007616x64xf32, #tpu.memory_space<hbm>>) target(%dma_start3A_346 : memref<40x64xf32, #tpu.memory_space<vmem>>) offsets(%dma_start3A_347 : memref<40xi32, #tpu.memory_space<vmem>>) semaphore(%arg9 : memref<!tpu.dma_semaphore, #tpu.memory_space<semaphore_mem>>)
      } else {
      }
      %add3A_188 = arith.constant 1 : i32
      %add3A_189 = arith.addi %mul3A_91, %add3A_188 : i32
      %mul3A_190 = arith.constant 200 : i32
      %mul3A_191 = arith.muli %add3A_189, %mul3A_190 : i32
      %add3A_192 = arith.constant 0 : i32
      %add3A_193 = arith.addi %mul3A_191, %add3A_192 : i32
      %dma_wait3A_194 = arith.constant 0 : i32
      %dma_wait3A_195 = arith.constant 0 : i32
      %dma_wait3A_196 = tpu.memref_slice %arg7[%dma_wait3A_194, %dma_wait3A_195] : memref<200x64xf32, #tpu.memory_space<vmem>> -> memref<40x64xf32, #tpu.memory_space<vmem>>
      %dma_wait3A_197 = tpu.memref_slice %arg5[%add3A_193] : memref<25600xi32, #tpu.memory_space<vmem>> -> memref<40xi32, #tpu.memory_space<vmem>>
      %dma_wait3A_198 = arith.constant 0 : i32
      %dma_wait3A_199 = arith.constant 0 : i32
      %dma_wait3A_200 = tpu.memref_slice %arg3[%dma_wait3A_198, %dma_wait3A_199] : memref<1007616x64xf32, #tpu.memory_space<hbm>> -> memref<1007616x64xf32, #tpu.memory_space<hbm>>
      tpu.wait_indirect_dma semaphore(%arg10 : memref<!tpu.dma_semaphore, #tpu.memory_space<semaphore_mem>>) src(%dma_wait3A_200 : memref<1007616x64xf32, #tpu.memory_space<hbm>>) dst(%dma_wait3A_196 : memref<40x64xf32, #tpu.memory_space<vmem>>)
      %mul3A_201 = arith.constant 200 : i32
      %mul3A_202 = arith.muli %add3A_189, %mul3A_201 : i32
      %add3A_203 = arith.constant 40 : i32
      %add3A_204 = arith.addi %mul3A_202, %add3A_203 : i32
      %dma_wait3A_205 = arith.constant 40 : i32
      %dma_wait3A_206 = arith.constant 0 : i32
      %dma_wait3A_207 = tpu.memref_slice %arg7[%dma_wait3A_205, %dma_wait3A_206] : memref<200x64xf32, #tpu.memory_space<vmem>> -> memref<40x64xf32, #tpu.memory_space<vmem>>
      %dma_wait3A_208 = tpu.memref_slice %arg5[%add3A_204] : memref<25600xi32, #tpu.memory_space<vmem>> -> memref<40xi32, #tpu.memory_space<vmem>>
      %dma_wait3A_209 = arith.constant 0 : i32
      %dma_wait3A_210 = arith.constant 0 : i32
      %dma_wait3A_211 = tpu.memref_slice %arg3[%dma_wait3A_209, %dma_wait3A_210] : memref<1007616x64xf32, #tpu.memory_space<hbm>> -> memref<1007616x64xf32, #tpu.memory_space<hbm>>
      tpu.wait_indirect_dma semaphore(%arg10 : memref<!tpu.dma_semaphore, #tpu.memory_space<semaphore_mem>>) src(%dma_wait3A_211 : memref<1007616x64xf32, #tpu.memory_space<hbm>>) dst(%dma_wait3A_207 : memref<40x64xf32, #tpu.memory_space<vmem>>)
      %mul3A_212 = arith.constant 200 : i32
      %mul3A_213 = arith.muli %add3A_189, %mul3A_212 : i32
      %add3A_214 = arith.constant 80 : i32
      %add3A_215 = arith.addi %mul3A_213, %add3A_214 : i32
      %dma_wait3A_216 = arith.constant 80 : i32
      %dma_wait3A_217 = arith.constant 0 : i32
      %dma_wait3A_218 = tpu.memref_slice %arg7[%dma_wait3A_216, %dma_wait3A_217] : memref<200x64xf32, #tpu.memory_space<vmem>> -> memref<40x64xf32, #tpu.memory_space<vmem>>
      %dma_wait3A_219 = tpu.memref_slice %arg5[%add3A_215] : memref<25600xi32, #tpu.memory_space<vmem>> -> memref<40xi32, #tpu.memory_space<vmem>>
      %dma_wait3A_220 = arith.constant 0 : i32
      %dma_wait3A_221 = arith.constant 0 : i32
      %dma_wait3A_222 = tpu.memref_slice %arg3[%dma_wait3A_220, %dma_wait3A_221] : memref<1007616x64xf32, #tpu.memory_space<hbm>> -> memref<1007616x64xf32, #tpu.memory_space<hbm>>
      tpu.wait_indirect_dma semaphore(%arg10 : memref<!tpu.dma_semaphore, #tpu.memory_space<semaphore_mem>>) src(%dma_wait3A_222 : memref<1007616x64xf32, #tpu.memory_space<hbm>>) dst(%dma_wait3A_218 : memref<40x64xf32, #tpu.memory_space<vmem>>)
      %mul3A_223 = arith.constant 200 : i32
      %mul3A_224 = arith.muli %add3A_189, %mul3A_223 : i32
      %add3A_225 = arith.constant 120 : i32
      %add3A_226 = arith.addi %mul3A_224, %add3A_225 : i32
      %dma_wait3A_227 = arith.constant 120 : i32
      %dma_wait3A_228 = arith.constant 0 : i32
      %dma_wait3A_229 = tpu.memref_slice %arg7[%dma_wait3A_227, %dma_wait3A_228] : memref<200x64xf32, #tpu.memory_space<vmem>> -> memref<40x64xf32, #tpu.memory_space<vmem>>
      %dma_wait3A_230 = tpu.memref_slice %arg5[%add3A_226] : memref<25600xi32, #tpu.memory_space<vmem>> -> memref<40xi32, #tpu.memory_space<vmem>>
      %dma_wait3A_231 = arith.constant 0 : i32
      %dma_wait3A_232 = arith.constant 0 : i32
      %dma_wait3A_233 = tpu.memref_slice %arg3[%dma_wait3A_231, %dma_wait3A_232] : memref<1007616x64xf32, #tpu.memory_space<hbm>> -> memref<1007616x64xf32, #tpu.memory_space<hbm>>
      tpu.wait_indirect_dma semaphore(%arg10 : memref<!tpu.dma_semaphore, #tpu.memory_space<semaphore_mem>>) src(%dma_wait3A_233 : memref<1007616x64xf32, #tpu.memory_space<hbm>>) dst(%dma_wait3A_229 : memref<40x64xf32, #tpu.memory_space<vmem>>)
      %mul3A_234 = arith.constant 200 : i32
      %mul3A_235 = arith.muli %add3A_189, %mul3A_234 : i32
      %add3A_236 = arith.constant 160 : i32
      %add3A_237 = arith.addi %mul3A_235, %add3A_236 : i32
      %dma_wait3A_238 = arith.constant 160 : i32
      %dma_wait3A_239 = arith.constant 0 : i32
      %dma_wait3A_240 = tpu.memref_slice %arg7[%dma_wait3A_238, %dma_wait3A_239] : memref<200x64xf32, #tpu.memory_space<vmem>> -> memref<40x64xf32, #tpu.memory_space<vmem>>
      %dma_wait3A_241 = tpu.memref_slice %arg5[%add3A_237] : memref<25600xi32, #tpu.memory_space<vmem>> -> memref<40xi32, #tpu.memory_space<vmem>>
      %dma_wait3A_242 = arith.constant 0 : i32
      %dma_wait3A_243 = arith.constant 0 : i32
      %dma_wait3A_244 = tpu.memref_slice %arg3[%dma_wait3A_242, %dma_wait3A_243] : memref<1007616x64xf32, #tpu.memory_space<hbm>> -> memref<1007616x64xf32, #tpu.memory_space<hbm>>
      tpu.wait_indirect_dma semaphore(%arg10 : memref<!tpu.dma_semaphore, #tpu.memory_space<semaphore_mem>>) src(%dma_wait3A_244 : memref<1007616x64xf32, #tpu.memory_space<hbm>>) dst(%dma_wait3A_240 : memref<40x64xf32, #tpu.memory_space<vmem>>)
      %add3A_245 = arith.constant 1 : i32
      %add3A_246 = arith.addi %mul3A_91, %add3A_245 : i32
      %broadcast_in_dim3A_247 = arith.constant 0.000000e+00 : f32
      %broadcast_in_dim3A_248 = vector.broadcast %broadcast_in_dim3A_247 : f32 to vector<16xf32>
      %scan3A_249 = arith.constant 0 : i32
      %scan3A_250 = arith.constant 50 : i32
      %scan3A_251 = arith.addi %scan3A_249, %scan3A_250 : i32
      %scan3A_252 = arith.constant 1 : i32
      %scan3A_253:4 = scf.for %scan3A_294 = %scan3A_249 to %scan3A_251 step %scan3A_252 iter_args(%scan3A_295 = %broadcast_in_dim3A_248, %scan3A_296 = %broadcast_in_dim3A_248, %scan3A_297 = %broadcast_in_dim3A_248, %scan3A_298 = %broadcast_in_dim3A_248) -> (vector<16xf32>, vector<16xf32>, vector<16xf32>, vector<16xf32>)  : i32 {
        %mul3A_299 = arith.constant 4 : i32
        %mul3A_300 = arith.muli %scan3A_294, %mul3A_299 : i32
        %add3A_301 = arith.constant 0 : i32
        %add3A_302 = arith.addi %mul3A_300, %add3A_301 : i32
        %get3A = arith.index_cast %add3A_302 : i32 to index
        %get3A_303 = arith.constant 0 : index
        %get3A_304 = tpu.vector_load %arg7[%get3A, %get3A_303] {strides = array<i32>} : memref<200x64xf32, #tpu.memory_space<vmem>>, vector<1x16xf32>,
        %get3A_305 = vector.shape_cast %get3A_304 : vector<1x16xf32> to vector<16xf32>
        %add3A_306 = arith.constant 1 : i32
        %add3A_307 = arith.addi %mul3A_300, %add3A_306 : i32
        %get3A_308 = arith.index_cast %add3A_307 : i32 to index
        %get3A_309 = arith.constant 0 : index
        %get3A_310 = tpu.vector_load %arg7[%get3A_308, %get3A_309] {strides = array<i32>} : memref<200x64xf32, #tpu.memory_space<vmem>>, vector<1x16xf32>,
        %get3A_311 = vector.shape_cast %get3A_310 : vector<1x16xf32> to vector<16xf32>
        %add3A_312 = arith.constant 2 : i32
        %add3A_313 = arith.addi %mul3A_300, %add3A_312 : i32
        %get3A_314 = arith.index_cast %add3A_313 : i32 to index
        %get3A_315 = arith.constant 0 : index
        %get3A_316 = tpu.vector_load %arg7[%get3A_314, %get3A_315] {strides = array<i32>} : memref<200x64xf32, #tpu.memory_space<vmem>>, vector<1x16xf32>,
        %get3A_317 = vector.shape_cast %get3A_316 : vector<1x16xf32> to vector<16xf32>
        %add3A_318 = arith.constant 3 : i32
        %add3A_319 = arith.addi %mul3A_300, %add3A_318 : i32
        %get3A_320 = arith.index_cast %add3A_319 : i32 to index
        %get3A_321 = arith.constant 0 : index
        %get3A_322 = tpu.vector_load %arg7[%get3A_320, %get3A_321] {strides = array<i32>} : memref<200x64xf32, #tpu.memory_space<vmem>>, vector<1x16xf32>,
        %get3A_323 = vector.shape_cast %get3A_322 : vector<1x16xf32> to vector<16xf32>
        %add3A_324 = arith.addf %get3A_305, %get3A_311 : vector<16xf32>
        %add3A_325 = arith.addf %get3A_317, %get3A_323 : vector<16xf32>
        %add3A_326 = arith.addf %add3A_324, %add3A_325 : vector<16xf32>
        %add3A_327 = arith.addf %scan3A_295, %add3A_326 : vector<16xf32>
        %add3A_328 = arith.constant 0 : i32
        %add3A_329 = arith.addi %mul3A_300, %add3A_328 : i32
        %get3A_330 = arith.index_cast %add3A_329 : i32 to index
        %get3A_331 = arith.constant 16 : index
        %get3A_332 = tpu.vector_load %arg7[%get3A_330, %get3A_331] {strides = array<i32>} : memref<200x64xf32, #tpu.memory_space<vmem>>, vector<1x16xf32>,
        %get3A_333 = vector.shape_cast %get3A_332 : vector<1x16xf32> to vector<16xf32>
        %add3A_334 = arith.constant 1 : i32
        %add3A_335 = arith.addi %mul3A_300, %add3A_334 : i32
        %get3A_336 = arith.index_cast %add3A_335 : i32 to index
        %get3A_337 = arith.constant 16 : index
        %get3A_338 = tpu.vector_load %arg7[%get3A_336, %get3A_337] {strides = array<i32>} : memref<200x64xf32, #tpu.memory_space<vmem>>, vector<1x16xf32>,
        %get3A_339 = vector.shape_cast %get3A_338 : vector<1x16xf32> to vector<16xf32>
        %add3A_340 = arith.constant 2 : i32
        %add3A_341 = arith.addi %mul3A_300, %add3A_340 : i32
        %get3A_342 = arith.index_cast %add3A_341 : i32 to index
        %get3A_343 = arith.constant 16 : index
        %get3A_344 = tpu.vector_load %arg7[%get3A_342, %get3A_343] {strides = array<i32>} : memref<200x64xf32, #tpu.memory_space<vmem>>, vector<1x16xf32>,
        %get3A_345 = vector.shape_cast %get3A_344 : vector<1x16xf32> to vector<16xf32>
        %add3A_346 = arith.constant 3 : i32
        %add3A_347 = arith.addi %mul3A_300, %add3A_346 : i32
        %get3A_348 = arith.index_cast %add3A_347 : i32 to index
        %get3A_349 = arith.constant 16 : index
        %get3A_350 = tpu.vector_load %arg7[%get3A_348, %get3A_349] {strides = array<i32>} : memref<200x64xf32, #tpu.memory_space<vmem>>, vector<1x16xf32>,
        %get3A_351 = vector.shape_cast %get3A_350 : vector<1x16xf32> to vector<16xf32>
        %add3A_352 = arith.addf %get3A_333, %get3A_339 : vector<16xf32>
        %add3A_353 = arith.addf %get3A_345, %get3A_351 : vector<16xf32>
        %add3A_354 = arith.addf %add3A_352, %add3A_353 : vector<16xf32>
        %add3A_355 = arith.addf %scan3A_296, %add3A_354 : vector<16xf32>
        %add3A_356 = arith.constant 0 : i32
        %add3A_357 = arith.addi %mul3A_300, %add3A_356 : i32
        %get3A_358 = arith.index_cast %add3A_357 : i32 to index
        %get3A_359 = arith.constant 32 : index
        %get3A_360 = tpu.vector_load %arg7[%get3A_358, %get3A_359] {strides = array<i32>} : memref<200x64xf32, #tpu.memory_space<vmem>>, vector<1x16xf32>,
        %get3A_361 = vector.shape_cast %get3A_360 : vector<1x16xf32> to vector<16xf32>
        %add3A_362 = arith.constant 1 : i32
        %add3A_363 = arith.addi %mul3A_300, %add3A_362 : i32
        %get3A_364 = arith.index_cast %add3A_363 : i32 to index
        %get3A_365 = arith.constant 32 : index
        %get3A_366 = tpu.vector_load %arg7[%get3A_364, %get3A_365] {strides = array<i32>} : memref<200x64xf32, #tpu.memory_space<vmem>>, vector<1x16xf32>,
        %get3A_367 = vector.shape_cast %get3A_366 : vector<1x16xf32> to vector<16xf32>
        %add3A_368 = arith.constant 2 : i32
        %add3A_369 = arith.addi %mul3A_300, %add3A_368 : i32
        %get3A_370 = arith.index_cast %add3A_369 : i32 to index
        %get3A_371 = arith.constant 32 : index
        %get3A_372 = tpu.vector_load %arg7[%get3A_370, %get3A_371] {strides = array<i32>} : memref<200x64xf32, #tpu.memory_space<vmem>>, vector<1x16xf32>,
        %get3A_373 = vector.shape_cast %get3A_372 : vector<1x16xf32> to vector<16xf32>
        %add3A_374 = arith.constant 3 : i32
        %add3A_375 = arith.addi %mul3A_300, %add3A_374 : i32
        %get3A_376 = arith.index_cast %add3A_375 : i32 to index
        %get3A_377 = arith.constant 32 : index
        %get3A_378 = tpu.vector_load %arg7[%get3A_376, %get3A_377] {strides = array<i32>} : memref<200x64xf32, #tpu.memory_space<vmem>>, vector<1x16xf32>,
        %get3A_379 = vector.shape_cast %get3A_378 : vector<1x16xf32> to vector<16xf32>
        %add3A_380 = arith.addf %get3A_361, %get3A_367 : vector<16xf32>
        %add3A_381 = arith.addf %get3A_373, %get3A_379 : vector<16xf32>
        %add3A_382 = arith.addf %add3A_380, %add3A_381 : vector<16xf32>
        %add3A_383 = arith.addf %scan3A_297, %add3A_382 : vector<16xf32>
        %add3A_384 = arith.constant 0 : i32
        %add3A_385 = arith.addi %mul3A_300, %add3A_384 : i32
        %get3A_386 = arith.index_cast %add3A_385 : i32 to index
        %get3A_387 = arith.constant 48 : index
        %get3A_388 = tpu.vector_load %arg7[%get3A_386, %get3A_387] {strides = array<i32>} : memref<200x64xf32, #tpu.memory_space<vmem>>, vector<1x16xf32>,
        %get3A_389 = vector.shape_cast %get3A_388 : vector<1x16xf32> to vector<16xf32>
        %add3A_390 = arith.constant 1 : i32
        %add3A_391 = arith.addi %mul3A_300, %add3A_390 : i32
        %get3A_392 = arith.index_cast %add3A_391 : i32 to index
        %get3A_393 = arith.constant 48 : index
        %get3A_394 = tpu.vector_load %arg7[%get3A_392, %get3A_393] {strides = array<i32>} : memref<200x64xf32, #tpu.memory_space<vmem>>, vector<1x16xf32>,
        %get3A_395 = vector.shape_cast %get3A_394 : vector<1x16xf32> to vector<16xf32>
        %add3A_396 = arith.constant 2 : i32
        %add3A_397 = arith.addi %mul3A_300, %add3A_396 : i32
        %get3A_398 = arith.index_cast %add3A_397 : i32 to index
        %get3A_399 = arith.constant 48 : index
        %get3A_400 = tpu.vector_load %arg7[%get3A_398, %get3A_399] {strides = array<i32>} : memref<200x64xf32, #tpu.memory_space<vmem>>, vector<1x16xf32>,
        %get3A_401 = vector.shape_cast %get3A_400 : vector<1x16xf32> to vector<16xf32>
        %add3A_402 = arith.constant 3 : i32
        %add3A_403 = arith.addi %mul3A_300, %add3A_402 : i32
        %get3A_404 = arith.index_cast %add3A_403 : i32 to index
        %get3A_405 = arith.constant 48 : index
        %get3A_406 = tpu.vector_load %arg7[%get3A_404, %get3A_405] {strides = array<i32>} : memref<200x64xf32, #tpu.memory_space<vmem>>, vector<1x16xf32>,
        %get3A_407 = vector.shape_cast %get3A_406 : vector<1x16xf32> to vector<16xf32>
        %add3A_408 = arith.addf %get3A_389, %get3A_395 : vector<16xf32>
        %add3A_409 = arith.addf %get3A_401, %get3A_407 : vector<16xf32>
        %add3A_410 = arith.addf %add3A_408, %add3A_409 : vector<16xf32>
        %add3A_411 = arith.addf %scan3A_298, %add3A_410 : vector<16xf32>
        scf.yield %add3A_327, %add3A_355, %add3A_383, %add3A_411 : vector<16xf32>, vector<16xf32>, vector<16xf32>, vector<16xf32>
      }
      %scan3A_254 = arith.constant 50 : i32
      %mul3A_255 = arith.constant 5.000000e-03 : f32
      %mul3A_256 = vector.broadcast %mul3A_255 : f32 to vector<16xf32>
      %mul3A_257 = arith.mulf %scan3A_253#0, %mul3A_256 : vector<16xf32>
      %swap3A_258 = arith.index_cast %add3A_246 : i32 to index
      %swap3A_259 = arith.constant 0 : index
      %swap3A_260 = tpu.vector_load %arg8[%swap3A_258, %swap3A_259] {strides = array<i32>} : memref<128x64xf32, #tpu.memory_space<vmem>>, vector<1x16xf32>,
      %swap3A_261 = vector.shape_cast %swap3A_260 : vector<1x16xf32> to vector<16xf32>
      %swap3A_262 = vector.shape_cast %mul3A_257 : vector<16xf32> to vector<1x16xf32>
      tpu.vector_store %arg8[%swap3A_258, %swap3A_259], %swap3A_262 {strides = array<i32>} : memref<128x64xf32, #tpu.memory_space<vmem>>, vector<1x16xf32>,
      %mul3A_263 = arith.constant 5.000000e-03 : f32
      %mul3A_264 = vector.broadcast %mul3A_263 : f32 to vector<16xf32>
      %mul3A_265 = arith.mulf %scan3A_253#1, %mul3A_264 : vector<16xf32>
      %swap3A_266 = arith.index_cast %add3A_246 : i32 to index
      %swap3A_267 = arith.constant 16 : index
      %swap3A_268 = tpu.vector_load %arg8[%swap3A_266, %swap3A_267] {strides = array<i32>} : memref<128x64xf32, #tpu.memory_space<vmem>>, vector<1x16xf32>,
      %swap3A_269 = vector.shape_cast %swap3A_268 : vector<1x16xf32> to vector<16xf32>
      %swap3A_270 = vector.shape_cast %mul3A_265 : vector<16xf32> to vector<1x16xf32>
      tpu.vector_store %arg8[%swap3A_266, %swap3A_267], %swap3A_270 {strides = array<i32>} : memref<128x64xf32, #tpu.memory_space<vmem>>, vector<1x16xf32>,
      %mul3A_271 = arith.constant 5.000000e-03 : f32
      %mul3A_272 = vector.broadcast %mul3A_271 : f32 to vector<16xf32>
      %mul3A_273 = arith.mulf %scan3A_253#2, %mul3A_272 : vector<16xf32>
      %swap3A_274 = arith.index_cast %add3A_246 : i32 to index
      %swap3A_275 = arith.constant 32 : index
      %swap3A_276 = tpu.vector_load %arg8[%swap3A_274, %swap3A_275] {strides = array<i32>} : memref<128x64xf32, #tpu.memory_space<vmem>>, vector<1x16xf32>,
      %swap3A_277 = vector.shape_cast %swap3A_276 : vector<1x16xf32> to vector<16xf32>
      %swap3A_278 = vector.shape_cast %mul3A_273 : vector<16xf32> to vector<1x16xf32>
      tpu.vector_store %arg8[%swap3A_274, %swap3A_275], %swap3A_278 {strides = array<i32>} : memref<128x64xf32, #tpu.memory_space<vmem>>, vector<1x16xf32>,
      %mul3A_279 = arith.constant 5.000000e-03 : f32
      %mul3A_280 = vector.broadcast %mul3A_279 : f32 to vector<16xf32>
      %mul3A_281 = arith.mulf %scan3A_253#3, %mul3A_280 : vector<16xf32>
      %swap3A_282 = arith.index_cast %add3A_246 : i32 to index
      %swap3A_283 = arith.constant 48 : index
      %swap3A_284 = tpu.vector_load %arg8[%swap3A_282, %swap3A_283] {strides = array<i32>} : memref<128x64xf32, #tpu.memory_space<vmem>>, vector<1x16xf32>,
      %swap3A_285 = vector.shape_cast %swap3A_284 : vector<1x16xf32> to vector<16xf32>
      %swap3A_286 = vector.shape_cast %mul3A_281 : vector<16xf32> to vector<1x16xf32>
      tpu.vector_store %arg8[%swap3A_282, %swap3A_283], %swap3A_286 {strides = array<i32>} : memref<128x64xf32, #tpu.memory_space<vmem>>, vector<1x16xf32>,
      %add3A_287 = arith.constant 3 : i32
      %add3A_288 = arith.addi %mul3A_91, %add3A_287 : i32
      %lt3A_289 = arith.constant 128 : i32
      %lt3A_290 = arith.cmpi slt, %add3A_288, %lt3A_289 : i32
      %convert_element_type3A_291 = arith.extui %lt3A_290 : i1 to i32
      %cond3A_292 = arith.constant 0 : i32
      %cond3A_293 = arith.cmpi ne, %convert_element_type3A_291, %cond3A_292 : i32
      scf.if %cond3A_293 {
        %add3A_294 = arith.constant 3 : i32
        %add3A_295 = arith.addi %mul3A_91, %add3A_294 : i32
        %mul3A_296 = arith.constant 200 : i32
        %mul3A_297 = arith.muli %add3A_295, %mul3A_296 : i32
        %add3A_298 = arith.constant 0 : i32
        %add3A_299 = arith.addi %mul3A_297, %add3A_298 : i32
        %dma_start3A_300 = arith.constant 0 : i32
        %dma_start3A_301 = arith.constant 0 : i32
        %dma_start3A_302 = tpu.memref_slice %arg7[%dma_start3A_300, %dma_start3A_301] : memref<200x64xf32, #tpu.memory_space<vmem>> -> memref<40x64xf32, #tpu.memory_space<vmem>>
        %dma_start3A_303 = tpu.memref_slice %arg5[%add3A_299] : memref<25600xi32, #tpu.memory_space<vmem>> -> memref<40xi32, #tpu.memory_space<vmem>>
        %dma_start3A_304 = arith.constant 0 : i32
        %dma_start3A_305 = arith.constant 0 : i32
        %dma_start3A_306 = tpu.memref_slice %arg3[%dma_start3A_304, %dma_start3A_305] : memref<1007616x64xf32, #tpu.memory_space<hbm>> -> memref<1007616x64xf32, #tpu.memory_space<hbm>>
        tpu.enqueue_indirect_dma source(%dma_start3A_306 : memref<1007616x64xf32, #tpu.memory_space<hbm>>) target(%dma_start3A_302 : memref<40x64xf32, #tpu.memory_space<vmem>>) offsets(%dma_start3A_303 : memref<40xi32, #tpu.memory_space<vmem>>) semaphore(%arg10 : memref<!tpu.dma_semaphore, #tpu.memory_space<semaphore_mem>>)
        %mul3A_307 = arith.constant 200 : i32
        %mul3A_308 = arith.muli %add3A_295, %mul3A_307 : i32
        %add3A_309 = arith.constant 40 : i32
        %add3A_310 = arith.addi %mul3A_308, %add3A_309 : i32
        %dma_start3A_311 = arith.constant 40 : i32
        %dma_start3A_312 = arith.constant 0 : i32
        %dma_start3A_313 = tpu.memref_slice %arg7[%dma_start3A_311, %dma_start3A_312] : memref<200x64xf32, #tpu.memory_space<vmem>> -> memref<40x64xf32, #tpu.memory_space<vmem>>
        %dma_start3A_314 = tpu.memref_slice %arg5[%add3A_310] : memref<25600xi32, #tpu.memory_space<vmem>> -> memref<40xi32, #tpu.memory_space<vmem>>
        %dma_start3A_315 = arith.constant 0 : i32
        %dma_start3A_316 = arith.constant 0 : i32
        %dma_start3A_317 = tpu.memref_slice %arg3[%dma_start3A_315, %dma_start3A_316] : memref<1007616x64xf32, #tpu.memory_space<hbm>> -> memref<1007616x64xf32, #tpu.memory_space<hbm>>
        tpu.enqueue_indirect_dma source(%dma_start3A_317 : memref<1007616x64xf32, #tpu.memory_space<hbm>>) target(%dma_start3A_313 : memref<40x64xf32, #tpu.memory_space<vmem>>) offsets(%dma_start3A_314 : memref<40xi32, #tpu.memory_space<vmem>>) semaphore(%arg10 : memref<!tpu.dma_semaphore, #tpu.memory_space<semaphore_mem>>)
        %mul3A_318 = arith.constant 200 : i32
        %mul3A_319 = arith.muli %add3A_295, %mul3A_318 : i32
        %add3A_320 = arith.constant 80 : i32
        %add3A_321 = arith.addi %mul3A_319, %add3A_320 : i32
        %dma_start3A_322 = arith.constant 80 : i32
        %dma_start3A_323 = arith.constant 0 : i32
        %dma_start3A_324 = tpu.memref_slice %arg7[%dma_start3A_322, %dma_start3A_323] : memref<200x64xf32, #tpu.memory_space<vmem>> -> memref<40x64xf32, #tpu.memory_space<vmem>>
        %dma_start3A_325 = tpu.memref_slice %arg5[%add3A_321] : memref<25600xi32, #tpu.memory_space<vmem>> -> memref<40xi32, #tpu.memory_space<vmem>>
        %dma_start3A_326 = arith.constant 0 : i32
        %dma_start3A_327 = arith.constant 0 : i32
        %dma_start3A_328 = tpu.memref_slice %arg3[%dma_start3A_326, %dma_start3A_327] : memref<1007616x64xf32, #tpu.memory_space<hbm>> -> memref<1007616x64xf32, #tpu.memory_space<hbm>>
        tpu.enqueue_indirect_dma source(%dma_start3A_328 : memref<1007616x64xf32, #tpu.memory_space<hbm>>) target(%dma_start3A_324 : memref<40x64xf32, #tpu.memory_space<vmem>>) offsets(%dma_start3A_325 : memref<40xi32, #tpu.memory_space<vmem>>) semaphore(%arg10 : memref<!tpu.dma_semaphore, #tpu.memory_space<semaphore_mem>>)
        %mul3A_329 = arith.constant 200 : i32
        %mul3A_330 = arith.muli %add3A_295, %mul3A_329 : i32
        %add3A_331 = arith.constant 120 : i32
        %add3A_332 = arith.addi %mul3A_330, %add3A_331 : i32
        %dma_start3A_333 = arith.constant 120 : i32
        %dma_start3A_334 = arith.constant 0 : i32
        %dma_start3A_335 = tpu.memref_slice %arg7[%dma_start3A_333, %dma_start3A_334] : memref<200x64xf32, #tpu.memory_space<vmem>> -> memref<40x64xf32, #tpu.memory_space<vmem>>
        %dma_start3A_336 = tpu.memref_slice %arg5[%add3A_332] : memref<25600xi32, #tpu.memory_space<vmem>> -> memref<40xi32, #tpu.memory_space<vmem>>
        %dma_start3A_337 = arith.constant 0 : i32
        %dma_start3A_338 = arith.constant 0 : i32
        %dma_start3A_339 = tpu.memref_slice %arg3[%dma_start3A_337, %dma_start3A_338] : memref<1007616x64xf32, #tpu.memory_space<hbm>> -> memref<1007616x64xf32, #tpu.memory_space<hbm>>
        tpu.enqueue_indirect_dma source(%dma_start3A_339 : memref<1007616x64xf32, #tpu.memory_space<hbm>>) target(%dma_start3A_335 : memref<40x64xf32, #tpu.memory_space<vmem>>) offsets(%dma_start3A_336 : memref<40xi32, #tpu.memory_space<vmem>>) semaphore(%arg10 : memref<!tpu.dma_semaphore, #tpu.memory_space<semaphore_mem>>)
        %mul3A_340 = arith.constant 200 : i32
        %mul3A_341 = arith.muli %add3A_295, %mul3A_340 : i32
        %add3A_342 = arith.constant 160 : i32
        %add3A_343 = arith.addi %mul3A_341, %add3A_342 : i32
        %dma_start3A_344 = arith.constant 160 : i32
        %dma_start3A_345 = arith.constant 0 : i32
        %dma_start3A_346 = tpu.memref_slice %arg7[%dma_start3A_344, %dma_start3A_345] : memref<200x64xf32, #tpu.memory_space<vmem>> -> memref<40x64xf32, #tpu.memory_space<vmem>>
        %dma_start3A_347 = tpu.memref_slice %arg5[%add3A_343] : memref<25600xi32, #tpu.memory_space<vmem>> -> memref<40xi32, #tpu.memory_space<vmem>>
        %dma_start3A_348 = arith.constant 0 : i32
        %dma_start3A_349 = arith.constant 0 : i32
        %dma_start3A_350 = tpu.memref_slice %arg3[%dma_start3A_348, %dma_start3A_349] : memref<1007616x64xf32, #tpu.memory_space<hbm>> -> memref<1007616x64xf32, #tpu.memory_space<hbm>>
        tpu.enqueue_indirect_dma source(%dma_start3A_350 : memref<1007616x64xf32, #tpu.memory_space<hbm>>) target(%dma_start3A_346 : memref<40x64xf32, #tpu.memory_space<vmem>>) offsets(%dma_start3A_347 : memref<40xi32, #tpu.memory_space<vmem>>) semaphore(%arg10 : memref<!tpu.dma_semaphore, #tpu.memory_space<semaphore_mem>>)
      } else {
      }
    }
    %scan3A_88 = arith.constant 64 : i32
    "tpu.region"() ({
      %run_scoped3A = tpu.sem_alloc : memref<!tpu.dma_semaphore, #tpu.memory_space<semaphore_mem>>
      %dma_start3A_89 = arith.constant 0 : i32
      %dma_start3A_90 = tpu.memref_slice %arg4[%mul3A_2, %dma_start3A_89] : memref<4096x64xf32, #tpu.memory_space<hbm>> -> memref<128x64xf32, #tpu.memory_space<hbm>>
      %dma_start3A_91 = arith.constant 0 : i32
      %dma_start3A_92 = tpu.memref_slice %arg4[%mul3A_2, %dma_start3A_91] : memref<4096x64xf32, #tpu.memory_space<hbm>> -> memref<128x64xf32, #tpu.memory_space<hbm>>
      tpu.enqueue_dma source(%arg8 : memref<128x64xf32, #tpu.memory_space<vmem>>) target(%dma_start3A_92 : memref<128x64xf32, #tpu.memory_space<hbm>>) target_semaphore(%run_scoped3A : memref<!tpu.dma_semaphore, #tpu.memory_space<semaphore_mem>>)
      %dma_wait3A = arith.constant 0 : i32
      %dma_wait3A_93 = tpu.memref_slice %arg4[%mul3A_2, %dma_wait3A] : memref<4096x64xf32, #tpu.memory_space<hbm>> -> memref<128x64xf32, #tpu.memory_space<hbm>>
      %dma_wait3A_94 = arith.constant 0 : i32
      %dma_wait3A_95 = tpu.memref_slice %arg4[%mul3A_2, %dma_wait3A_94] : memref<4096x64xf32, #tpu.memory_space<hbm>> -> memref<128x64xf32, #tpu.memory_space<hbm>>
      tpu.wait_dma2 semaphore(%run_scoped3A : memref<!tpu.dma_semaphore, #tpu.memory_space<semaphore_mem>>) src(%arg8 : memref<128x64xf32, #tpu.memory_space<vmem>>) dst(%dma_wait3A_95 : memref<128x64xf32, #tpu.memory_space<hbm>>)
      tpu.yield
    }) : () -> ()
    return
  }
}

module attributes {stable_mosaic.version = 14 : i64} {
  func.func @_repack_body(%arg0: i32, %arg1: memref<64x4096xf32, #tpu.memory_space<vmem>>, %arg2: memref<64x4096xf32, #tpu.memory_space<vmem>>, %arg3: memref<4096x128xf32, #tpu.memory_space<vmem>>) attributes {dimension_semantics = [#tpu.dimension_semantics<arbitrary>], iteration_bounds = array<i64: 123>, scalar_prefetch = 0 : i64, scratch_operands = 0 : i64, tpu.core_type = #tpu.core_type<tc>, window_params = [{transform_indices = @transform_0, window_bounds = array<i64: 64, 4096>}, {transform_indices = @transform_1, window_bounds = array<i64: 64, 4096>}, {transform_indices = @transform_2, window_bounds = array<i64: 4096, 128>}]} {
    %get3A = arith.constant 0 : index
    %get3A_0 = arith.constant 0 : index
    %get3A_1 = vector.load %arg1[%get3A, %get3A_0] : memref<64x4096xf32, #tpu.memory_space<vmem>>, vector<64x4096xf32>
    %transpose3A = tpu.transpose %get3A_1, [1, 0] : vector<64x4096xf32> -> vector<4096x64xf32>
    %get3A_2 = arith.constant 0 : index
    %get3A_3 = arith.constant 0 : index
    %get3A_4 = vector.load %arg2[%get3A_2, %get3A_3] : memref<64x4096xf32, #tpu.memory_space<vmem>>, vector<64x4096xf32>
    %transpose3A_5 = tpu.transpose %get3A_4, [1, 0] : vector<64x4096xf32> -> vector<4096x64xf32>
    %concatenate3A = tpu.concatenate %transpose3A, %transpose3A_5 in 1 : vector<4096x64xf32>, vector<4096x64xf32> -> vector<4096x128xf32>
    %swap3A = arith.constant 0 : index
    %swap3A_6 = arith.constant 0 : index
    %swap3A_7 = vector.load %arg3[%swap3A, %swap3A_6] : memref<4096x128xf32, #tpu.memory_space<vmem>>, vector<4096x128xf32>
    tpu.vector_store %arg3[%swap3A, %swap3A_6], %concatenate3A {strides = array<i32>} : memref<4096x128xf32, #tpu.memory_space<vmem>>, vector<4096x128xf32>,
    return
  }
  func.func @transform_0(%arg0: i32) -> (i32, i32) {
    %lt3A = arith.constant 122 : i32
    %lt3A_0 = arith.cmpi slt, %arg0, %lt3A : i32
    %jit3A = arith.constant 244 : i32
    %select_n3A = arith.select %lt3A_0, %arg0, %jit3A : i32
    %c0_i32 = arith.constant 0 : i32
    %c0_i32_1 = arith.constant 0 : i32
    return %c0_i32, %select_n3A : i32, i32
  }
  func.func @transform_1(%arg0: i32) -> (i32, i32) {
    %lt3A = arith.constant 122 : i32
    %lt3A_0 = arith.cmpi slt, %arg0, %lt3A : i32
    %add3A = arith.constant 122 : i32
    %add3A_1 = arith.addi %arg0, %add3A : i32
    %jit3A = arith.constant 243 : i32
    %select_n3A = arith.select %lt3A_0, %add3A_1, %jit3A : i32
    %c0_i32 = arith.constant 0 : i32
    %c0_i32_2 = arith.constant 0 : i32
    return %c0_i32, %select_n3A : i32, i32
  }
  func.func @transform_2(%arg0: i32) -> (i32, i32) {
    %c0_i32 = arith.constant 0 : i32
    %c0_i32_0 = arith.constant 0 : i32
    return %arg0, %c0_i32 : i32, i32
  }
}

module attributes {stable_mosaic.version = 14 : i64} {
  func.func @_mlp_body(%arg0: memref<4096x64xf32, #tpu.memory_space<vmem>>, %arg1: memref<64x128xf32, #tpu.memory_space<vmem>>, %arg2: memref<1x128xf32, #tpu.memory_space<vmem>>, %arg3: memref<128x16xf32, #tpu.memory_space<vmem>>, %arg4: memref<1x16xf32, #tpu.memory_space<vmem>>, %arg5: memref<4096x16xf32, #tpu.memory_space<vmem>>) attributes {dimension_semantics = [], scalar_prefetch = 0 : i64, scratch_operands = 0 : i64, tpu.core_type = #tpu.core_type<tc>} {
    %get3A = arith.constant 0 : index
    %get3A_0 = arith.constant 0 : index
    %get3A_1 = vector.load %arg0[%get3A, %get3A_0] : memref<4096x64xf32, #tpu.memory_space<vmem>>, vector<4096x64xf32>
    %get3A_2 = arith.constant 0 : index
    %get3A_3 = arith.constant 0 : index
    %get3A_4 = vector.load %arg1[%get3A_2, %get3A_3] : memref<64x128xf32, #tpu.memory_space<vmem>>, vector<64x128xf32>
    %dot_general3A = arith.constant dense<0.000000e+00> : vector<4096x128xf32>
    %dot_general3A_5 = tpu.matmul %get3A_1, %get3A_4, %dot_general3A {dimension_numbers = #tpu.dot_dimension_numbers<[1], [0], [0], [1], [0, 0, 1, 1], [], []>, transpose_lhs_hint = false} : vector<4096x64xf32>, vector<64x128xf32>, vector<4096x128xf32> -> vector<4096x128xf32>
    %get3A_6 = arith.constant 0 : index
    %get3A_7 = arith.constant 0 : index
    %get3A_8 = vector.load %arg2[%get3A_6, %get3A_7] : memref<1x128xf32, #tpu.memory_space<vmem>>, vector<1x128xf32>
    %add3A = vector.broadcast %get3A_8 : vector<1x128xf32> to vector<4096x128xf32>
    %add3A_9 = arith.addf %dot_general3A_5, %add3A : vector<4096x128xf32>
    %get3A_10 = arith.constant 0 : index
    %get3A_11 = arith.constant 0 : index
    %get3A_12 = vector.load %arg3[%get3A_10, %get3A_11] : memref<128x16xf32, #tpu.memory_space<vmem>>, vector<128x16xf32>
    %dot_general3A_13 = arith.constant dense<0.000000e+00> : vector<4096x16xf32>
    %dot_general3A_14 = tpu.matmul %add3A_9, %get3A_12, %dot_general3A_13 {dimension_numbers = #tpu.dot_dimension_numbers<[1], [0], [0], [1], [0, 0, 1, 1], [], []>, transpose_lhs_hint = false} : vector<4096x128xf32>, vector<128x16xf32>, vector<4096x16xf32> -> vector<4096x16xf32>
    %get3A_15 = arith.constant 0 : index
    %get3A_16 = arith.constant 0 : index
    %get3A_17 = vector.load %arg4[%get3A_15, %get3A_16] : memref<1x16xf32, #tpu.memory_space<vmem>>, vector<1x16xf32>
    %add3A_18 = vector.broadcast %get3A_17 : vector<1x16xf32> to vector<4096x16xf32>
    %add3A_19 = arith.addf %dot_general3A_14, %add3A_18 : vector<4096x16xf32>
    %swap3A = arith.constant 0 : index
    %swap3A_20 = arith.constant 0 : index
    %swap3A_21 = vector.load %arg5[%swap3A, %swap3A_20] : memref<4096x16xf32, #tpu.memory_space<vmem>>, vector<4096x16xf32>
    tpu.vector_store %arg5[%swap3A, %swap3A_20], %add3A_19 {strides = array<i32>} : memref<4096x16xf32, #tpu.memory_space<vmem>>, vector<4096x16xf32>,
    return
  }
}

</mosaic_0001>

<sc_bundles>
// kernel: kernel.5.cloned.1.call-start
scs
__scs_entry_jumppad:
0x0: {  	(pc) =	sbr.rel $0x88, $3  }
0x1: {  	(tag) =	ssettag $0x0;
	lr =	simm.s32 $0x1  }
0x2: {  	[smem:$0x3F9B] =	sst lr;
	_ =	strace $0xD0000000  }
0x3: {  	_ = 	snop  }
0x4: {  	_ = 	snop  }
0x5: {  	_ = 	snop  }
0x6: {  	_ = 	snop  }
0x7: {  	_ = 	snop  }
__scs_overlays_trampoline_lowered:
0x8: {  	[smem:$0x3FAA] =	sst s0  }
0x9: {  	[smem:$0x3FAB] =	sst s1  }
0xa: {  	[smem:$0x3FAC] =	sst s2  }
0xb: {  	[smem:$0x3FAD] =	sst s3  }
0xc: {  	[smem:$0x3FAE] =	sst s4  }
0xd: {  	[smem:$0x3FAF] =	sst s5  }
0xe: {  	[smem:$0x3FB0] =	sst s6  }
0xf: {  	[smem:$0x3FB1] =	sst s7  }
0x10: {  	[smem:$0x3FB2] =	sst s8  }
0x11: {  	[smem:$0x3FB3] =	sst s9;
	s0 =	simm.s32 @!p0 $0x0  }
0x12: {  	s1 =	sld [smem:$0x3F99];
	s0 =	simm.s32 @p0 $0x1  }
0x13: {  	[smem:$0x3FB4] =	sst s0;
	s0 =	simm.s32 @!p1 $0x0  }
0x14: {  	s2 =	sld [smem:$0x3F98];
	s0 =	simm.s32 @p1 $0x1  }
0x15: {  	[smem:$0x3FB5] =	sst s0;
	s0 =	simm.s32 @!p2 $0x0  }
0x16: {  	s3 =	sld [smem:$0x3FDB];
	s0 =	simm.s32 @p2 $0x1  }
0x17: {  	s4 =	simm.s32 $0x1BF5;
	[smem:$0x3FB7] =	sst s0  }
0x18: {  	s0 =	sld [smem:$0x3F9A];
	_ =	swait.ge [sflag:s4], $0x0  }
0x19: {  	s7 =	sld [smem:$0x3F9B]  }
0x1a: {  	s8 =	sadd.s32 $0xFFFFE003, lr  }
0x1b: {  	s9 =	sadd.s32 $0xFFFFFEF7, lr;
	s5 =	simm.s32 $0xFFFFFFFF;
	p2 =	slt.u32 s8, $0xFFFFF086  }
0x1c: {  	p1 =	slt.u32 s9, $0xF7A;
	s5 =	simm.s32 @!p2 $0x0  }
0x1d: {  	s5 =	simm.s32 @p1 $0x1;
	p0 =	seq.s32 s7, s2  }
0x1e: {  	s7 =	smul.u32 @!p0 $0xF7A, s2;
	p2 =	seq.s32 @!p0 s5, $0x0  }
0x1f: {  	s9 =	smul.u32 $0xF7A, s1;
	s8 =	simm.s32 @!p0 $0x1BF5;
	p2 =	por !p2, p0  }
0x20: {  	[sflag:s8] =	ssyncset.s32 @!p0 $0xFFFFF086;
	s6 =	sadd.s32 @!p0 s3, s7;
	s7 =	simm.s32 @!p0 $0x108  }
0x21: {  	s3 =	sadd.s32 s3, s9;
	s6 =	sadd.s32 @!p0 $0x88, s6;
	s7 =	simm.s32 @p2 $0x1082  }
0x22: {  	[simem:s7], [sflag:s8] =	dma.local @!p0 [hbm:s6], $0xF7A  }
0x23: {  	s9 =	sor.u32 $0xD0000000, s2;
	s6 =	simm.s32 $0x108;
	_ =	swait.ge @!p0 [sflag:s8], $0x0  }
0x24: {  	s3 =	sadd.s32 $0x88, s3;
	s6 =	simm.s32 @!p1 $0x1082;
	[sflag:s4] =	ssyncset.s32 $0xFFFFF086  }
0x25: {  	[simem:s6], [sflag:s4] =	dma.local [hbm:s3], $0xF7A  }
0x26: {  	[smem:$0x3F9B] =	sst s1;
	(tag) =	ssettag s2;
	_ =	strace s9  }
0x27: {  	s1 =	sld [smem:$0x3FAB]  }
0x28: {  	s2 =	sld [smem:$0x3FAC]  }
0x29: {  	s4 =	sld [smem:$0x3FAE]  }
0x2a: {  	p0 =	seq.s32 s5, $0x0;
	s5 =	sld [smem:$0x3FAF]  }
0x2b: {  	s6 =	sld [smem:$0x3FB0]  }
0x2c: {  	s7 =	sld [smem:$0x3FB1]  }
0x2d: {  	s3 =	simm.s32 $0x108;
	s8 =	sld [smem:$0x3FB2]  }
0x2e: {  	s3 =	simm.s32 @!p0 $0x1082;
	s9 =	sld [smem:$0x3FB3]  }
0x2f: {  	lr =	sadd.s32 s0, s3;
	s0 =	sld [smem:$0x3FAA]  }
0x30: {  	s3 =	sld [smem:$0x3FAD]  }
0x31: {  	[smem:$0x3FB6] =	sst s10  }
0x32: {  	s10 =	sld [smem:$0x3FB4];
	_ =	sdelay $0x3  }
0x33: {  	p0 =	seq.s32 s10, $0x1;
	s10 =	sld [smem:$0x3FB6];
	_ =	sdelay $0x3  }
0x34: {  	[smem:$0x3FB6] =	sst s10  }
0x35: {  	s10 =	sld [smem:$0x3FB5];
	_ =	sdelay $0x3  }
0x36: {  	p1 =	seq.s32 s10, $0x1;
	s10 =	sld [smem:$0x3FB6];
	_ =	sdelay $0x3  }
0x37: {  	[smem:$0x3FB6] =	sst s10  }
0x38: {  	s10 =	sld [smem:$0x3FB7]  }
0x39: {  	_ = 	snop;
	(pc) =	sbr.ind lr, $3  }
0x3a: {  	_ = 	snop  }
0x3b: {  	_ = 	snop  }
0x3c: {  	p2 =	seq.s32 s10, $0x1;
	s10 =	sld [smem:$0x3FB6]  }
0x3d: {  	_ =	shalt  }
0x3e: {  	_ =	shalt  }
0x3f: {  	_ =	shalt  }
0x40: {  	_ =	shalt  }
0x41: {  	_ =	shalt  }
0x42: {  	_ =	shalt  }
0x43: {  	_ =	shalt  }
0x44: {  	_ =	shalt  }
0x45: {  	_ =	shalt  }
0x46: {  	_ =	shalt  }
0x47: {  	_ =	shalt  }
0x48: {  	_ =	shalt  }
0x49: {  	_ =	shalt  }
0x4a: {  	_ =	shalt  }
0x4b: {  	_ =	shalt  }
0x4c: {  	_ =	shalt  }
0x4d: {  	_ =	shalt  }
0x4e: {  	_ =	shalt  }
0x4f: {  	_ =	shalt  }
0x50: {  	_ =	shalt  }
0x51: {  	_ =	shalt  }
0x52: {  	_ =	shalt  }
0x53: {  	_ =	shalt  }
0x54: {  	_ =	shalt  }
0x55: {  	_ =	shalt  }
0x56: {  	_ =	shalt  }
0x57: {  	_ =	shalt  }
0x58: {  	_ =	shalt  }
0x59: {  	_ =	shalt  }
0x5a: {  	_ =	shalt  }
0x5b: {  	_ =	shalt  }
0x5c: {  	_ =	shalt  }
0x5d: {  	_ =	shalt  }
0x5e: {  	_ =	shalt  }
0x5f: {  	_ =	shalt  }
0x60: {  	_ =	shalt  }
0x61: {  	_ =	shalt  }
0x62: {  	_ =	shalt  }
0x63: {  	_ =	shalt  }
0x64: {  	_ =	shalt  }
0x65: {  	_ =	shalt  }
0x66: {  	_ =	shalt  }
0x67: {  	_ =	shalt  }
0x68: {  	_ =	shalt  }
0x69: {  	_ =	shalt  }
0x6a: {  	_ =	shalt  }
0x6b: {  	_ =	shalt  }
0x6c: {  	_ =	shalt  }
0x6d: {  	_ =	shalt  }
0x6e: {  	_ =	shalt  }
0x6f: {  	_ =	shalt  }
0x70: {  	_ =	shalt  }
0x71: {  	_ =	shalt  }
0x72: {  	_ =	shalt  }
0x73: {  	_ =	shalt  }
0x74: {  	_ =	shalt  }
0x75: {  	_ =	shalt  }
0x76: {  	_ =	shalt  }
0x77: {  	_ =	shalt  }
0x78: {  	_ =	shalt  }
0x79: {  	_ =	shalt  }
0x7a: {  	_ =	shalt  }
0x7b: {  	_ =	shalt  }
0x7c: {  	_ =	shalt  }
0x7d: {  	_ =	shalt  }
0x7e: {  	_ =	shalt  }
0x7f: {  	_ =	shalt  }
0x80: {  	_ =	shalt  }
0x81: {  	_ =	shalt  }
0x82: {  	_ =	shalt  }
0x83: {  	_ =	shalt  }
0x84: {  	_ =	shalt  }
0x85: {  	_ =	shalt  }
0x86: {  	_ =	shalt  }
0x87: {  	_ =	shalt  }
.Lfunc_end0:
.L_simem_size_0:
called_computation_lowered:
.L_overlay_start_0:
0x88: {  	s2 =	sld [smem:$0x3FD9]  }
0x89: {  	s3 =	sld [smem:$0x3FFE];
	_ =	sdelay $0x1  }
0x8a: {  	s1 =	srdreg.scid  }
0x8b: {  	s0 =	sand.u32 $0x1, s1  }
0x8c: {  	s16 =	sshll.u32 s0, $0xA;
	s2 =	sadd.s32 s3, s2  }
0x8d: {  	s2 =	sadd.s32 s2, s16  }
0x8e: {  	[smem:$0x3FC2] =	sst s2  }
0x8f: {  	_ = 	snop  }
0x90: {  	(tm) =	ssettm $0x1  }
0x91: {  	s17 =	sld [smem:$0x3FFB];
	_ =	sdelay $0x3  }
0x92: {  	_ =	strace s17  }
0x93: {  	s2 =	sld [smem:$0x3FFC];
	_ =	sdelay $0x3  }
0x94: {  	_ =	strace s2  }
0x95: {  	s2 =	sld [smem:$0x3FFD];
	_ =	sdelay $0x3  }
0x96: {  	_ =	strace s2  }
0x97: {  	_ =	strace $0x8FFFFFFF  }
0x98: {  	s18 =	sld [smem:$0x3FDB];
	_ =	sdelay $0x1  }
0x99: {  	s19 =	simm.s32 $_scs_section_size  }
0x9a: {  	s4 =	simm.s32 $_size__tile_overlayer_lowered;
	s5 =	simm.s32 $_tile_overlayer_lowered  }
0x9b: {  	s22 =	simm.s32 $0x1BFF;
	s21 =	sshll.u32 s5, $0x1;
	s2 =	sadd.s32 s19, s18  }
0x9c: {  	s6 =	simm.s32 $0x0;
	s20 =	sshll.u32 s4, $0x1;
	s4 =	sadd.s32 s21, s2  }
0x9d: {  	[timem:s6], [sflag:s22] =	dma.local [hbm:s4], s20  }
0x9e: {  	_ =	swait.ge [sflag:s22], s20  }
0x9f: {  	s3 =	ssub.s32 $0x0, s20;
	[sflag:s22] =	ssyncset.done $0x0  }
0xa0: {  	[sflag:s22] =	ssyncadd.s32 s3;
	_ =	sdelay $0x1  }
0xa1: {  	s23 =	simm.s32 $0x1B8B  }
0xa2: {  	_ =	swait.ge [sflag:s23], $0x1  }
0xa3: {  	[sflag:s23] =	ssyncset.done $0x0  }
0xa4: {  	s25 =	simm.s32 $0x1B8E;
	s24 =	sld [smem:$0x3FFE];
	[sflag:s23] =	ssyncadd.s32 $0xFFFFFFFF  }
0xa5: {  	s26 =	simm.s32 $execute0_lowered;
	[smem:$0x3FD2] =	sst s25  }
0xa6: {  	s4 =	sshll.u32 s26, $0x1;
	_ =	strace $0x80000046;
	[dreg:$0x1] =	wrdreg $0xFFFFFFFF  }
0xa7: {  	s28 =	simm.s32 $_size_execute0_lowered;
	s2 =	sadd.s32 s2, s4;
	[dreg:$0x0] =	wrdreg $0x0  }
0xa8: {  	s4 =	sshll.u32 s28, $0x1;
	[dreg:$0x2] =	wrdreg s2  }
0xa9: {  	[dreg:$0x3] =	wrdreg s4  }
0xaa: {  	[dreg:$0x4] =	wrdreg $0xC0  }
0xab: {  	_ =	task [dreg:s6], $0x5FFFF  }
0xac: {  	[dreg:$0x1] =	wrdreg $0xFFFFFFFF  }
0xad: {  	[dreg:$0x0] =	wrdreg $0x60  }
0xae: {  	[dreg:$0x2] =	wrdreg s24  }
0xaf: {  	[dreg:$0x3] =	wrdreg $0x9  }
0xb0: {  	_ =	task.clear_ibuf [dreg:s6], $0x4FFFF;
	_ =	strace $0x90000046  }
0xb1: {  	s29 =	simm.s32 $0x9;
	_ =	strace $0x80000048  }
0xb2: {  	_ =	swait.ge [sflag:s29], $0x1  }
0xb3: {  	[sflag:s29] =	ssyncadd.s32 $0xFFFFFFFF  }
0xb4: {  	_ =	strace $0x90000048  }
0xb5: {  	_ =	sfence  }
0xb6: {  	s30 =	sld [smem:$0x0];
	_ =	sdelay $0x2  }
0xb7: {  	s31 =	sshll.u32 s1, $0xD;
	s1 =	sshrl.u32 s1, $0x2  }
0xb8: {  	s3 =	sand.u32 $0x4000, s31;
	s1 =	sadd.s32 s1, s30  }
0xb9: {  	s0 =	sor.u32 s3, s0;
	s1 =	sshll.u32 s1, $0x11  }
0xba: {  	s0 =	sor.u32 s1, s0  }
0xbb: {  	s0 =	sadd.s32 $0x8F2B, s0  }
0xbc: {  	[sflag:s0] =	ssyncadd.remote.s32 $0x1  }
0xbd: {  	_ =	sfence.sel $0xFFFF  }
0xbe: {  	[dreg:$0x0] =	wrdreg $0xFFFFFFFF;
	(pc) =	sbr.abs _section_cstart, $3  }
0xbf: {  	[dreg:$0x1] =	wrdreg $0xFFFFFFFF  }
0xc0: {  	_ =	task.clear_ibuf [dreg:s6], $0x2FFFF;
	_ =	strace $0x9FFFFFFF  }
0xc1: {  	(tm) =	ssettm $0x7FFFFFFF  }
tec
execute0_lowered:
.L_overlay_start_1:
0x0: {  	(tag) =	ssettag $0x1  }
0x1: {  	s0 =	srdreg.scid;
	s2 =	stileid.u32  }
0x2: {  	s1 =	rddreg [dreg:$0x0];
	s7 =	simm.s32 $0x3;
	s8 =	simm.s32 $0x28  }
0x3: {  	s13 =	simm.s32 $0x78;
	s14 =	simm.s32 $0x8200;
	s15 =	simm.s32 $0xA0  }
0x4: {  	s16 =	simm.s32 $0x8C00;
	s17 =	simm.s32 $0xC8;
	s18 =	simm.s32 $0x9600  }
0x5: {  	s19 =	simm.s32 $0xF0;
	s20 =	simm.s32 $0xA000;
	s21 =	simm.s32 $0x118  }
0x6: {  	s22 =	simm.s32 $0xAA00;
	s23 =	simm.s32 $0x140;
	s24 =	simm.s32 $0xB400  }
0x7: {  	s25 =	simm.s32 $0x168;
	s26 =	simm.s32 $0xBE00;
	s28 =	simm.s32 $0x1  }
0x8: {  	s29 =	simm.s32 $0x2;
	s30 =	simm.s32 $0xC800;
	s31 =	simm.s32 $0x0  }
0x9: {  	s0 =	sand.u32 $0x1, s0;
	s3 =	sshll.u32 s2, $0x1;
	s2 =	simm.s32 $0x0  }
.Ltmp0:
0xa: {  	s3 =	sor.u32 s0, s3;
	[smem:$0x7FF] =	sst s2;
	(pc) =	sbr.rel .LBB2_1-.Ltmp0, $4  }
0xb: {  	s0 =	ssub.s32 $0x2, s0;
	s4 =	smul.u32 $0xC80, s3;
	_ =	strace $0x80000047  }
0xc: {  	s5 =	sshll.u32 s3, $0xA;
	s6 =	sshrl.u32 s0, $0x1;
	s3 =	sadd.s32 $0x19C00, s1  }
0xd: {  	s0 =	ssub.s32 s0, s6;
	s4 =	sadd.s32 s4, s1;
	s1 =	sadd.s32 s5, s1  }
0xe: {  	s6 =	smax.u32 s0, $0x1;
	s4 =	sadd.s32 $0xC00, s4;
	s5 =	sadd.s32 $0x7C9C00, s1  }
.LBB2_8:
0xf: {  	s31 =	sadd.s32 $0x1, s31  }
0x10: {  	p0 =	sne.s32 s31, s6  }
.Ltmp1:
0x11: {  	_ = 	snop;
	(pc) =	sbr.rel @!p0 .LBB2_9-.Ltmp1, $4  }
0x12: {  	[hbm4b:s5+s2] =	stream.linear.scatter [tilespmem:s30], [sflag:$0x3], $0x2000, $0x38;
	[tilespmem:$0xE800] =	vst v63  }
0x13: {  	_ =	swait.ge [sflag:s7], $0x2000  }
0x14: {  	[sflag:s7] =	ssyncset.done $0x0  }
0x15: {  	[sflag:s7] =	ssyncadd.s32 $0xFFFFE000  }
.LBB2_1:
0x16: {  	[tilespmem:s2], [sflag:$0x3] =	stream.linear.gather [hbm4b:s4+s2], $0x6400, $0x38;
	[tilespmem:$0xE800] =	vst v63  }
0x17: {  	_ =	swait.ge [sflag:s7], $0x6400  }
0x18: {  	[sflag:s7] =	ssyncset.done $0x0  }
0x19: {  	s0 =	simm.s32 $0x6400;
	[sflag:s7] =	ssyncadd.s32 $0xFFFF9C00  }
0x1a: {  	[tilespmem:s0], [sflag:$0x1] =	stream.indirect.gather [hbm4b:s3+s8], $0x40, s2, s8, $0xb8;
	[tilespmem:$0xE800] =	vst v63  }
0x1b: {  	s11 =	simm.s32 $0x6E00  }
0x1c: {  	[tilespmem:s11], [sflag:$0x1] =	stream.indirect.gather [hbm4b:s3+s8], $0x40, s8, s8, $0xb8;
	[tilespmem:$0xE800] =	vst v63  }
0x1d: {  	s12 =	simm.s32 $0x50;
	s1 =	simm.s32 $0x7800  }
0x1e: {  	[tilespmem:s1], [sflag:$0x1] =	stream.indirect.gather [hbm4b:s3+s8], $0x40, s12, s8, $0xb8;
	[tilespmem:$0xE800] =	vst v63  }
0x1f: {  	_ = 	snop  }
0x20: {  	[tilespmem:s14], [sflag:$0x1] =	stream.indirect.gather [hbm4b:s3+s8], $0x40, s13, s8, $0xb8;
	[tilespmem:$0xE800] =	vst v63  }
0x21: {  	_ = 	snop  }
0x22: {  	[tilespmem:s16], [sflag:$0x1] =	stream.indirect.gather [hbm4b:s3+s8], $0x40, s15, s8, $0xb8;
	[tilespmem:$0xE800] =	vst v63  }
0x23: {  	_ = 	snop  }
0x24: {  	[tilespmem:s18], [sflag:$0x2] =	stream.indirect.gather [hbm4b:s3+s8], $0x40, s17, s8, $0xb8;
	[tilespmem:$0xE800] =	vst v63  }
0x25: {  	_ = 	snop  }
0x26: {  	[tilespmem:s20], [sflag:$0x2] =	stream.indirect.gather [hbm4b:s3+s8], $0x40, s19, s8, $0xb8;
	[tilespmem:$0xE800] =	vst v63  }
0x27: {  	_ = 	snop  }
0x28: {  	[tilespmem:s22], [sflag:$0x2] =	stream.indirect.gather [hbm4b:s3+s8], $0x40, s21, s8, $0xb8;
	[tilespmem:$0xE800] =	vst v63  }
0x29: {  	_ = 	snop  }
0x2a: {  	[tilespmem:s24], [sflag:$0x2] =	stream.indirect.gather [hbm4b:s3+s8], $0x40, s23, s8, $0xb8;
	[tilespmem:$0xE800] =	vst v63  }
0x2b: {  	s1 =	simm.s32 $0x0  }
0x2c: {  	[tilespmem:s26], [sflag:$0x2] =	stream.indirect.gather [hbm4b:s3+s8], $0x40, s25, s8, $0xb8;
	[tilespmem:$0xE800] =	vst v63  }
.LBB2_2:
0x2d: {  	_ =	swait.ge [sflag:s28], $0xA00  }
0x2e: {  	[sflag:s28] =	ssyncset.done $0x0  }
0x2f: {  	[sflag:s28] =	ssyncadd.s32 $0xFFFFF600  }
0x30: {  	_ =	swait.ge [sflag:s28], $0xA00  }
0x31: {  	[sflag:s28] =	ssyncset.done $0x0  }
0x32: {  	[sflag:s28] =	ssyncadd.s32 $0xFFFFF600  }
0x33: {  	_ =	swait.ge [sflag:s28], $0xA00  }
0x34: {  	[sflag:s28] =	ssyncset.done $0x0  }
0x35: {  	[sflag:s28] =	ssyncadd.s32 $0xFFFFF600  }
0x36: {  	_ =	swait.ge [sflag:s28], $0xA00  }
0x37: {  	[sflag:s28] =	ssyncset.done $0x0  }
0x38: {  	[sflag:s28] =	ssyncadd.s32 $0xFFFFF600  }
0x39: {  	_ =	swait.ge [sflag:s28], $0xA00  }
0x3a: {  	[sflag:s28] =	ssyncset.done $0x0  }
0x3b: {  	s9 =	simm.s32 $0x0;
	[sflag:s28] =	ssyncadd.s32 $0xFFFFF600  }
0x3c: {  	v0 =	vld [tilespmem:s9+$0x6430]  }
0x3d: {  	v1 =	vld [tilespmem:s9+$0x6470]  }
0x3e: {  	v2 =	vld [tilespmem:s9+$0x64B0]  }
0x3f: {  	v3 =	vld [tilespmem:s9+$0x64F0]  }
0x40: {  	v4 =	vld [tilespmem:s9+$0x6400]  }
0x41: {  	v5 =	vld [tilespmem:s9+$0x6440]  }
0x42: {  	v6 =	vld [tilespmem:s9+$0x6480]  }
0x43: {  	v7 =	vld [tilespmem:s9+$0x64C0]  }
0x44: {  	v8 =	vld [tilespmem:s9+$0x6410]  }
0x45: {  	v9 =	vld [tilespmem:s9+$0x6450]  }
0x46: {  	v10 =	vld [tilespmem:s9+$0x6490]  }
0x47: {  	v11 =	vld [tilespmem:s9+$0x64D0];
	_ =	sdelay $0x1  }
0x48: {  	v12 =	vld [tilespmem:s9+$0x6460];
	v0 =	vadd.f32 v1, v0  }
0x49: {  	v1 =	vadd.f32 v3, v2;
	v2 =	vld [tilespmem:s9+$0x6420];
	v3 =	vadd.f32 v5, v4  }
0x4a: {  	v4 =	vadd.f32 v7, v6;
	v5 =	vld [tilespmem:s9+$0x64A0];
	v9 =	vadd.f32 v9, v8  }
0x4b: {  	s0 =	simm.s32 $0x100;
	v7 =	vld [tilespmem:s9+$0x64E0];
	v10 =	vadd.f32 v11, v10;
	v0 =	vadd.f32 v1, v0  }
0x4c: {  	v6 =	vld [tilespmem:s0+$0x6470];
	v1 =	vadd.f32 v4, v3;
	v3 =	vimm.f32 $0.0e+00  }
0x4d: {  	v8 =	vld [tilespmem:s0+$0x64B0];
	v10 =	vadd.f32 v10, v9;
	v0 =	vadd.f32 v0, v3  }
0x4e: {  	s9 =	simm.s32 $0x800;
	v4 =	vld [tilespmem:s0+$0x6430];
	v1 =	vadd.f32 v1, v3;
	v9 =	vadd.f32 v12, v2;
	v2 =	vimm.f32 $0.0e+00  }
.LBB2_3:
0x4f: {  	p0 =	sne.s32 s9, $0xC400;
	v11 =	vld [tilespmem:s0+$0x64F0]  }
0x50: {  	v12 =	vld [tilespmem:s0+$0x6400];
	v3 =	vadd.f32 v10, v3;
	v5 =	vadd.f32 v7, v5  }
0x51: {  	v7 =	vld [tilespmem:s0+$0x6440]  }
0x52: {  	v10 =	vld [tilespmem:s0+$0x6480];
	v5 =	vadd.f32 v5, v9  }
0x53: {  	v9 =	vld [tilespmem:s0+$0x64C0]  }
0x54: {  	v4 =	vadd.f32 v6, v4;
	v13 =	vld [tilespmem:s0+$0x6410];
	v6 =	vadd.f32 v11, v8  }
0x55: {  	v2 =	vadd.f32 v5, v2;
	v8 =	vld [tilespmem:s0+$0x6450]  }
0x56: {  	v5 =	vadd.f32 v7, v12;
	v11 =	vld [tilespmem:s0+$0x6490];
	v4 =	vadd.f32 v6, v4  }
0x57: {  	v6 =	vld [tilespmem:s0+$0x64D0]  }
0x58: {  	v7 =	vadd.f32 v9, v10;
	v9 =	vld [tilespmem:s0+$0x6420];
	v0 =	vadd.f32 v4, v0  }
0x59: {  	v12 =	vld [tilespmem:s0+$0x6460]  }
.Ltmp2:
0x5a: {  	v10 =	vadd.f32 v7, v5;
	v13 =	vadd.f32 v8, v13;
	v5 =	vld [tilespmem:s0+$0x64A0];
	(pc) =	sbr.rel @p0 .LBB2_3-.Ltmp2, $4  }
0x5b: {  	v7 =	vld [tilespmem:s0+$0x64E0];
	s0 =	sshra.s32 s9, $0x2  }
0x5c: {  	v4 =	vld [tilespmem:s0+$0x6430];
	v1 =	vadd.f32 v10, v1;
	v10 =	vadd.f32 v6, v11  }
0x5d: {  	v6 =	vld [tilespmem:s0+$0x6470]  }
0x5e: {  	s9 =	sadd.s32 $0x400, s9;
	v8 =	vld [tilespmem:s0+$0x64B0];
	v10 =	vadd.f32 v10, v13;
	v9 =	vadd.f32 v12, v9  }
0x5f: {  	v11 =	vld [tilespmem:s0+$0x64F0]  }
0x60: {  	v12 =	vld [tilespmem:s0+$0x6400]  }
0x61: {  	v13 =	vld [tilespmem:s0+$0x6440]  }
0x62: {  	v14 =	vld [tilespmem:s0+$0x6480]  }
0x63: {  	v15 =	vld [tilespmem:s0+$0x64C0]  }
0x64: {  	v16 =	vld [tilespmem:s0+$0x6410]  }
0x65: {  	v17 =	vld [tilespmem:s0+$0x6450]  }
0x66: {  	v18 =	vld [tilespmem:s0+$0x6490]  }
0x67: {  	v19 =	vld [tilespmem:s0+$0x64D0]  }
0x68: {  	v20 =	vld [tilespmem:s0+$0x6420]  }
0x69: {  	v21 =	vld [tilespmem:s0+$0x6460];
	v5 =	vadd.f32 v7, v5  }
0x6a: {  	v22 =	vld [tilespmem:s0+$0x64A0];
	v3 =	vadd.f32 v10, v3  }
0x6b: {  	v7 =	vld [tilespmem:s0+$0x64E0];
	v5 =	vadd.f32 v5, v9;
	v4 =	vadd.f32 v6, v4  }
0x6c: {  	v10 =	vadd.f32 v13, v12;
	v62 =	vadd.f32 v15, v14  }
0x6d: {  	v6 =	vadd.f32 v11, v8;
	v9 =	vadd.f32 v17, v16  }
0x6e: {  	v11 =	vadd.f32 v21, v20;
	v2 =	vadd.f32 v5, v2  }
0x6f: {  	v8 =	vadd.f32 v62, v10;
	v10 =	vadd.f32 v19, v18  }
0x70: {  	v7 =	vadd.f32 v7, v22;
	v4 =	vadd.f32 v6, v4  }
0x71: {  	v5 =	vadd.f32 v10, v9;
	v1 =	vadd.f32 v8, v1  }
0x72: {  	v7 =	vadd.f32 v7, v11;
	v0 =	vadd.f32 v4, v0  }
0x73: {  	s11 =	sshll.u32 s1, $0x7;
	v3 =	vadd.f32 v5, v3;
	v1 =	vmul.f32 $4.999999890e-03, v1  }
0x74: {  	p0 =	seq.s32 s1, $0x3F;
	s0 =	sand.u32 $0x3FFFFF80, s11;
	v2 =	vadd.f32 v7, v2;
	v0 =	vmul.f32 $4.999999890e-03, v0  }
0x75: {  	s9 =	smul.u32 @!p0 $0x640, s1;
	v3 =	vmul.f32 $4.999999890e-03, v3;
	[tilespmem:s0+$0xC800] =	vst v1  }
0x76: {  	v1 =	vmul.f32 $4.999999890e-03, v2;
	[tilespmem:s0+$0xC830] =	vst v0  }
0x77: {  	s9 =	sshra.s32 @!p0 s9, $0x2;
	[tilespmem:s0+$0xC810] =	vst v3  }
0x78: {  	s11 =	simm.s32 @!p0 $0x28;
	s12 =	simm.s32 @!p0 $0x6400;
	s10 =	sadd.s32 @!p0 $0x190, s9;
	[tilespmem:s0+$0xC820] =	vst v1  }
0x79: {  	[tilespmem:s12], [sflag:$0x1] =	stream.indirect.gather @!p0 [hbm4b:s3+s11], $0x40, s10, s11, $0xb8;
	[tilespmem:$0xE800] =	vst v63  }
0x7a: {  	s10 =	sadd.s32 @!p0 $0x1B8, s9;
	s12 =	simm.s32 @!p0 $0x6E00  }
0x7b: {  	[tilespmem:s12], [sflag:$0x1] =	stream.indirect.gather @!p0 [hbm4b:s3+s11], $0x40, s10, s11, $0xb8;
	[tilespmem:$0xE800] =	vst v63  }
0x7c: {  	s10 =	sadd.s32 @!p0 $0x1E0, s9;
	s12 =	simm.s32 @!p0 $0x7800  }
0x7d: {  	[tilespmem:s12], [sflag:$0x1] =	stream.indirect.gather @!p0 [hbm4b:s3+s11], $0x40, s10, s11, $0xb8;
	[tilespmem:$0xE800] =	vst v63  }
0x7e: {  	s10 =	sadd.s32 @!p0 $0x208, s9;
	s12 =	simm.s32 @!p0 $0x8200  }
0x7f: {  	[tilespmem:s12], [sflag:$0x1] =	stream.indirect.gather @!p0 [hbm4b:s3+s11], $0x40, s10, s11, $0xb8;
	[tilespmem:$0xE800] =	vst v63  }
0x80: {  	s9 =	sadd.s32 @!p0 $0x230, s9;
	s10 =	simm.s32 @!p0 $0x8C00  }
0x81: {  	[tilespmem:s10], [sflag:$0x1] =	stream.indirect.gather @!p0 [hbm4b:s3+s11], $0x40, s9, s11, $0xb8;
	[tilespmem:$0xE800] =	vst v63  }
0x82: {  	_ =	swait.ge [sflag:s29], $0xA00  }
0x83: {  	[sflag:s29] =	ssyncset.done $0x0  }
0x84: {  	[sflag:s29] =	ssyncadd.s32 $0xFFFFF600  }
0x85: {  	_ =	swait.ge [sflag:s29], $0xA00  }
0x86: {  	[sflag:s29] =	ssyncset.done $0x0  }
0x87: {  	[sflag:s29] =	ssyncadd.s32 $0xFFFFF600  }
0x88: {  	_ =	swait.ge [sflag:s29], $0xA00  }
0x89: {  	[sflag:s29] =	ssyncset.done $0x0  }
0x8a: {  	[sflag:s29] =	ssyncadd.s32 $0xFFFFF600  }
0x8b: {  	_ =	swait.ge [sflag:s29], $0xA00  }
0x8c: {  	[sflag:s29] =	ssyncset.done $0x0  }
0x8d: {  	[sflag:s29] =	ssyncadd.s32 $0xFFFFF600  }
0x8e: {  	_ =	swait.ge [sflag:s29], $0xA00  }
0x8f: {  	[sflag:s29] =	ssyncset.done $0x0  }
0x90: {  	s12 =	simm.s32 $0x0;
	[sflag:s29] =	ssyncadd.s32 $0xFFFFF600  }
0x91: {  	v0 =	vld [tilespmem:s12+$0x9630]  }
0x92: {  	v1 =	vld [tilespmem:s12+$0x9670]  }
0x93: {  	v2 =	vld [tilespmem:s12+$0x96B0]  }
0x94: {  	v3 =	vld [tilespmem:s12+$0x96F0]  }
0x95: {  	v4 =	vld [tilespmem:s12+$0x9600]  }
0x96: {  	v5 =	vld [tilespmem:s12+$0x9640]  }
0x97: {  	v6 =	vld [tilespmem:s12+$0x9680]  }
0x98: {  	v7 =	vld [tilespmem:s12+$0x96C0]  }
0x99: {  	v8 =	vld [tilespmem:s12+$0x9610]  }
0x9a: {  	v9 =	vld [tilespmem:s12+$0x9650]  }
0x9b: {  	v10 =	vld [tilespmem:s12+$0x9690]  }
0x9c: {  	v11 =	vld [tilespmem:s12+$0x96D0];
	_ =	sdelay $0x1  }
0x9d: {  	v63 =	vld [tilespmem:s12+$0x9660];
	v0 =	vadd.f32 v1, v0  }
0x9e: {  	v1 =	vadd.f32 v3, v2;
	v2 =	vld [tilespmem:s12+$0x9620];
	v3 =	vadd.f32 v5, v4  }
0x9f: {  	v4 =	vadd.f32 v7, v6;
	v5 =	vld [tilespmem:s12+$0x96A0];
	v9 =	vadd.f32 v9, v8  }
0xa0: {  	s9 =	simm.s32 $0x100;
	v7 =	vld [tilespmem:s12+$0x96E0];
	v10 =	vadd.f32 v11, v10;
	v0 =	vadd.f32 v1, v0  }
0xa1: {  	v6 =	vld [tilespmem:s9+$0x9670];
	v1 =	vadd.f32 v4, v3;
	v3 =	vimm.f32 $0.0e+00  }
0xa2: {  	v8 =	vld [tilespmem:s9+$0x96B0];
	v10 =	vadd.f32 v10, v9;
	v0 =	vadd.f32 v0, v3  }
0xa3: {  	s10 =	simm.s32 $0x800;
	v4 =	vld [tilespmem:s9+$0x9630];
	v1 =	vadd.f32 v1, v3;
	v9 =	vadd.f32 v63, v2;
	v2 =	vimm.f32 $0.0e+00  }
.LBB2_5:
0xa4: {  	p1 =	sne.s32 s10, $0xC400;
	v11 =	vld [tilespmem:s9+$0x96F0]  }
0xa5: {  	v12 =	vld [tilespmem:s9+$0x9600];
	v3 =	vadd.f32 v10, v3;
	v5 =	vadd.f32 v7, v5  }
0xa6: {  	v7 =	vld [tilespmem:s9+$0x9640]  }
0xa7: {  	v10 =	vld [tilespmem:s9+$0x9680];
	v5 =	vadd.f32 v5, v9  }
0xa8: {  	v9 =	vld [tilespmem:s9+$0x96C0]  }
0xa9: {  	v4 =	vadd.f32 v6, v4;
	v13 =	vld [tilespmem:s9+$0x9610];
	v6 =	vadd.f32 v11, v8  }
0xaa: {  	v2 =	vadd.f32 v5, v2;
	v8 =	vld [tilespmem:s9+$0x9650]  }
0xab: {  	v5 =	vadd.f32 v7, v12;
	v11 =	vld [tilespmem:s9+$0x9690];
	v4 =	vadd.f32 v6, v4  }
0xac: {  	v6 =	vld [tilespmem:s9+$0x96D0]  }
0xad: {  	v7 =	vadd.f32 v9, v10;
	v9 =	vld [tilespmem:s9+$0x9620];
	v0 =	vadd.f32 v4, v0  }
0xae: {  	v12 =	vld [tilespmem:s9+$0x9660]  }
.Ltmp3:
0xaf: {  	v10 =	vadd.f32 v7, v5;
	v13 =	vadd.f32 v8, v13;
	v5 =	vld [tilespmem:s9+$0x96A0];
	(pc) =	sbr.rel @p1 .LBB2_5-.Ltmp3, $4  }
0xb0: {  	v7 =	vld [tilespmem:s9+$0x96E0];
	s9 =	sshra.s32 s10, $0x2  }
0xb1: {  	v4 =	vld [tilespmem:s9+$0x9630];
	v1 =	vadd.f32 v10, v1;
	v10 =	vadd.f32 v6, v11  }
0xb2: {  	v6 =	vld [tilespmem:s9+$0x9670]  }
0xb3: {  	s10 =	sadd.s32 $0x400, s10;
	v8 =	vld [tilespmem:s9+$0x96B0];
	v10 =	vadd.f32 v10, v13;
	v9 =	vadd.f32 v12, v9  }
0xb4: {  	v11 =	vld [tilespmem:s9+$0x96F0]  }
0xb5: {  	v12 =	vld [tilespmem:s9+$0x9600]  }
0xb6: {  	v13 =	vld [tilespmem:s9+$0x9640]  }
0xb7: {  	v14 =	vld [tilespmem:s9+$0x9680]  }
0xb8: {  	v15 =	vld [tilespmem:s9+$0x96C0]  }
0xb9: {  	v16 =	vld [tilespmem:s9+$0x9610]  }
0xba: {  	v17 =	vld [tilespmem:s9+$0x9650]  }
0xbb: {  	v18 =	vld [tilespmem:s9+$0x9690]  }
0xbc: {  	v19 =	vld [tilespmem:s9+$0x96D0]  }
0xbd: {  	v20 =	vld [tilespmem:s9+$0x9620]  }
0xbe: {  	v21 =	vld [tilespmem:s9+$0x9660]  }
0xbf: {  	v22 =	vld [tilespmem:s9+$0x96A0];
	v5 =	vadd.f32 v7, v5  }
0xc0: {  	v54 =	vld [tilespmem:s9+$0x96E0];
	v3 =	vadd.f32 v10, v3  }
0xc1: {  	v5 =	vadd.f32 v5, v9;
	v4 =	vadd.f32 v6, v4  }
0xc2: {  	v55 =	vadd.f32 v13, v12;
	v56 =	vadd.f32 v15, v14  }
0xc3: {  	v57 =	vadd.f32 v11, v8;
	v59 =	vadd.f32 v17, v16  }
0xc4: {  	v60 =	vadd.f32 v19, v18;
	v61 =	vadd.f32 v21, v20  }
0xc5: {  	v7 =	vadd.f32 v54, v22;
	v58 =	vadd.f32 v56, v55  }
0xc6: {  	v2 =	vadd.f32 v5, v2;
	v62 =	vadd.f32 v60, v59  }
0xc7: {  	v7 =	vadd.f32 v7, v61;
	v1 =	vadd.f32 v58, v1  }
0xc8: {  	v4 =	vadd.f32 v57, v4;
	v3 =	vadd.f32 v62, v3  }
0xc9: {  	v2 =	vadd.f32 v7, v2;
	v1 =	vmul.f32 $4.999999890e-03, v1  }
.Ltmp4:
0xca: {  	v0 =	vadd.f32 v4, v0;
	v3 =	vmul.f32 $4.999999890e-03, v3;
	(pc) =	sbr.rel @p0 .LBB2_8-.Ltmp4, $4  }
0xcb: {  	v63 =	vmul.f32 $4.999999890e-03, v2;
	[tilespmem:s0+$0xC840] =	vst v1  }
0xcc: {  	v0 =	vmul.f32 $4.999999890e-03, v0;
	[tilespmem:s0+$0xC850] =	vst v3  }
0xcd: {  	[tilespmem:s0+$0xC860] =	vst v63  }
0xce: {  	[tilespmem:s0+$0xC870] =	vst v0  }
0xcf: {  	s0 =	smul.u32 $0x640, s1;
	_ =	sdelay $0x1  }
0xd0: {  	s0 =	sshra.s32 s0, $0x2  }
0xd1: {  	s9 =	sadd.s32 $0x258, s0  }
0xd2: {  	[tilespmem:s18], [sflag:$0x2] =	stream.indirect.gather [hbm4b:s3+s8], $0x40, s9, s8, $0xb8;
	[tilespmem:$0xE800] =	vst v63  }
0xd3: {  	s10 =	sadd.s32 $0x280, s0  }
0xd4: {  	[tilespmem:s20], [sflag:$0x2] =	stream.indirect.gather [hbm4b:s3+s8], $0x40, s10, s8, $0xb8;
	[tilespmem:$0xE800] =	vst v63  }
0xd5: {  	s11 =	sadd.s32 $0x2A8, s0  }
0xd6: {  	[tilespmem:s22], [sflag:$0x2] =	stream.indirect.gather [hbm4b:s3+s8], $0x40, s11, s8, $0xb8;
	[tilespmem:$0xE800] =	vst v63  }
.Ltmp5:
0xd7: {  	_ = 	snop;
	(pc) =	sbr.rel .LBB2_2-.Ltmp5, $4  }
0xd8: {  	s12 =	sadd.s32 $0x2D0, s0  }
0xd9: {  	[tilespmem:s24], [sflag:$0x2] =	stream.indirect.gather [hbm4b:s3+s8], $0x40, s12, s8, $0xb8;
	[tilespmem:$0xE800] =	vst v63  }
0xda: {  	s1 =	sadd.s32 $0x1, s1;
	s0 =	sadd.s32 $0x2F8, s0  }
0xdb: {  	[tilespmem:s26], [sflag:$0x2] =	stream.indirect.gather [hbm4b:s3+s8], $0x40, s0, s8, $0xb8;
	[tilespmem:$0xE800] =	vst v63  }
.LBB2_9:
0xdc: {  	_ =	sfence.sel $0x180000  }
0xdd: {  	[bflag:$0x0] =	sbarrier.arrive $0xFFFF  }
0xde: {  	_ =	strace $0x90000047  }
0xdf: {  	s0 =	stileid.u32;
	[bflag:$0x2] =	sbarrier.arrive $0xFFFF  }
0xe0: {  	p0 =	sne.s32 s0, $0x0;
	s0 =	rddreg [dreg:$0x1]  }
0xe1: {  	s0 =	sadd.s32 @!p0 $0x100000, s0  }
0xe2: {  	[sflag:s0] =	ssyncadd.tile.s32 @!p0 $0x1;
	_ =	shalt  }
.Lfunc_end2:
_tile_overlayer_lowered:
.L_overlay_start_2:
0xe3: {  	(tag) =	ssettag $0x2  }
0xe4: {  	s0 =	rddreg [dreg:$0x0];
	s2 =	stileid.u32  }
0xe5: {  	s1 =	rddreg [dreg:$0x1];
	p0 =	sne.s32 s2, $0x0  }
0xe6: {  	s3 =	rddreg [dreg:$0x2];
	[bflag:$0x3] =	sbarrier.arrive $0xFFFF;
	s2 =	simm.s32 @!p0 $0x1C03  }
0xe7: {  	[timem:s3], [sflag:s2] =	dma.local @!p0 [hbm:s0], s1  }
0xe8: {  	s0 =	simm.s32 @!p0 $0x3  }
0xe9: {  	_ =	swait.ge @!p0 [sflag:s0], s1  }
0xea: {  	s1 =	ssub.s32 @!p0 $0x0, s1;
	[sflag:s0] =	ssyncset.done @!p0 $0x0  }
0xeb: {  	[sflag:s0] =	ssyncadd.s32 @!p0 s1  }
0xec: {  	[bflag:$0x3] =	sbarrier.arrive $0xFFFF  }
0xed: {  	_ =	shalt  }

</sc_bundles>
